<compile_context>
chip_gen: v7x
topology: tpu7x:2x2x1
jax: 0.10.2.dev20260603
libtpu: 0.0.44.dev20260713+nightly
codegen_flags: <defaults>
</compile_context>

<pallas_src>
import functools

import jax
import jax.numpy as jnp
from jax import lax
from jax.experimental import pallas as pl
from jax.experimental.pallas import tpu as pltpu
from jax.experimental.pallas import tpu_sc as plsc

BZ = 16384
SIZE = 8192
D = 64
K = 16

ROW_BLK = 256
N_ROW_BLKS = BZ // ROW_BLK
KS_BLK = 256
N_KS_BLKS = SIZE // KS_BLK

_NC = 2
_NS = 16
_NW = _NC * _NS
_BPW = (BZ * K) // _NW
_CH = 1024
_NCHUNK = _BPW // _CH


def _norm_rows(x):
    n = jnp.sqrt(jnp.sum(x * x, axis=1, keepdims=True))
    return x / jnp.maximum(n, 1e-12)




def _keys_body(pv_ref, keys_ref):
    keys_ref[...] = _norm_rows(pv_ref[:, 0, :])


def _compute_keys(prompt_values):
    return pl.pallas_call(
        _keys_body,
        out_shape=jax.ShapeDtypeStruct((SIZE, D), jnp.float32),
    )(prompt_values)




def _topk_body(q_ref, keys_ref, vals_ref, idx_ref):
    q = _norm_rows(q_ref[:, 0, :])
    keys = keys_ref[...]
    sim = lax.dot_general(q, keys, (((1,), (1,)), ((), ())),
                          preferred_element_type=jnp.float32)
    iota = lax.broadcasted_iota(jnp.int32, (ROW_BLK, SIZE), 1)
    neg = jnp.float32(-jnp.inf)
    big = jnp.int32(2**30)
    cur = sim
    vcols = []
    icols = []
    for j in range(K):
        m = jnp.max(cur, axis=1, keepdims=True)
        ij = jnp.min(jnp.where(cur == m, iota, big), axis=1, keepdims=True)
        vcols.append(m)
        icols.append(ij)
        if j + 1 < K:
            cur = jnp.where(iota == ij, neg, cur)
    vals_ref[...] = jnp.concatenate(vcols, axis=1)
    idx_ref[...] = jnp.concatenate(icols, axis=1)


def _topk(query, keys):
    return pl.pallas_call(
        _topk_body,
        grid=(N_ROW_BLKS,),
        in_specs=[
            pl.BlockSpec((ROW_BLK, 1, D), lambda i: (i, 0, 0)),
            pl.BlockSpec((SIZE, D), lambda i: (0, 0)),
        ],
        out_specs=[
            pl.BlockSpec((ROW_BLK, K), lambda i: (i, 0)),
            pl.BlockSpec((ROW_BLK, K), lambda i: (i, 0)),
        ],
        out_shape=[
            jax.ShapeDtypeStruct((BZ, K), jnp.float32),
            jax.ShapeDtypeStruct((BZ, K), jnp.int32),
        ],
    )(query, keys)




def _ksim_body(ka_ref, kb_ref, out_ref):
    i = pl.program_id(0)
    j = pl.program_id(1)
    s = lax.dot_general(ka_ref[...], kb_ref[...], (((1,), (1,)), ((), ())),
                        preferred_element_type=jnp.float32)
    ri = i * KS_BLK + lax.broadcasted_iota(jnp.int32, (KS_BLK, KS_BLK), 0)
    cj = j * KS_BLK + lax.broadcasted_iota(jnp.int32, (KS_BLK, KS_BLK), 1)
    s = jnp.where(ri == cj, s - 1.0, s)
    part = jnp.sum(jnp.abs(s)).reshape(1, 1)

    @pl.when(jnp.logical_and(i == 0, j == 0))
    def _init():
        out_ref[...] = jnp.zeros((1, 1), jnp.float32)

    out_ref[...] += part


def _ksim(keys):
    return pl.pallas_call(
        _ksim_body,
        grid=(N_KS_BLKS, N_KS_BLKS),
        in_specs=[
            pl.BlockSpec((KS_BLK, D), lambda i, j: (i, 0)),
            pl.BlockSpec((KS_BLK, D), lambda i, j: (j, 0)),
        ],
        out_specs=pl.BlockSpec((1, 1), lambda i, j: (0, 0)),
        out_shape=jax.ShapeDtypeStruct((1, 1), jnp.float32),
    )(keys, keys)




def _diff_body(p_ref, v_ref, q_ref, out_ref):
    i = pl.program_id(0)
    q = _norm_rows(q_ref[:, 0, :])
    v = v_ref[...]
    recon = jnp.zeros((ROW_BLK, D), jnp.float32)
    for kk in range(K):
        recon = recon + v[:, kk:kk + 1] * p_ref[:, kk * D:(kk + 1) * D]
    d = recon - q
    part = jnp.sum(d * d).reshape(1, 1)

    @pl.when(i == 0)
    def _init():
        out_ref[...] = jnp.zeros((1, 1), jnp.float32)

    out_ref[...] += part


def _diff(prompts2d, vals, query):
    return pl.pallas_call(
        _diff_body,
        grid=(N_ROW_BLKS,),
        in_specs=[
            pl.BlockSpec((ROW_BLK, K * D), lambda i: (i, 0)),
            pl.BlockSpec((ROW_BLK, K), lambda i: (i, 0)),
            pl.BlockSpec((ROW_BLK, 1, D), lambda i: (i, 0, 0)),
        ],
        out_specs=pl.BlockSpec((1, 1), lambda i: (0, 0)),
        out_shape=jax.ShapeDtypeStruct((1, 1), jnp.float32),
    )(prompts2d, vals, query)




def _gather_rows_sc(table, idx_flat):
    mesh = plsc.VectorSubcoreMesh(core_axis_name="c", subcore_axis_name="s")

    @functools.partial(
        pl.kernel,
        mesh=mesh,
        out_type=jax.ShapeDtypeStruct((BZ * K, D), jnp.float32),
        compiler_params=pltpu.CompilerParams(use_tc_tiling_on_sc=False),
        scratch_types=[
            pltpu.VMEM((_CH,), jnp.int32),
            pltpu.VMEM((_CH, D), jnp.float32),
            pltpu.SemaphoreType.DMA,
        ],
    )
    def body(table_hbm, idx_hbm, out_hbm, idx_v, rows_v, sem):
        wid = lax.axis_index("s") * _NC + lax.axis_index("c")
        for c in range(_NCHUNK):
            base = wid * _BPW + c * _CH
            pltpu.sync_copy(idx_hbm.at[pl.ds(base, _CH)], idx_v)
            pltpu.async_copy(table_hbm.at[idx_v], rows_v, sem).wait()
            pltpu.sync_copy(rows_v, out_hbm.at[pl.ds(base, _CH)])

    return body(table, idx_flat)




def kernel(query, prompt_values, k):
    keys = _compute_keys(prompt_values)
    vals, idx = _topk(query, keys)
    prompts_flat = _gather_rows_sc(keys, idx.reshape(-1))
    ksim = _ksim(keys)
    diff = _diff(prompts_flat.reshape(BZ, K * D), vals, query)
    prompts = prompts_flat.reshape(BZ, K, D)
    ps_loss = (diff[0, 0] + ksim[0, 0]) * (1.0 / BZ)
    return prompts, ps_loss

# --- scband reference (transcript-rebuilt; emitter-appended) ---
"""Pipeline reference for scband-prompt-basis-learner-44332652430099 (READ-ONLY COPY).

The authoritative reference and input builder live on the scoring server;
editing this copy changes nothing except your own understanding.
"""

import jax, jax.numpy as jnp
import numpy as np


def _l2norm(x, axis):
    n = jnp.sqrt(jnp.sum(x * x, axis=axis, keepdims=True))
    return x / jnp.maximum(n, 1e-12)


def setup_inputs(seed: int = 0) -> dict:
    key = jax.random.key(seed)
    k1, k2 = jax.random.split(key)
    BZ, size, d = 16384, 8192, 64
    query = jax.random.normal(k1, (BZ, 1, d), dtype=jnp.float32)
    # nn.Parameter initialized with uniform(-1, 1), shape (size, 1, prompt_dim)
    prompt_values = jax.random.uniform(k2, (size, 1, d), dtype=jnp.float32, minval=-1.0, maxval=1.0)
    return {"query": query, "prompt_values": prompt_values, "k": 16}


def reference(query, prompt_values, k):
    BZ = query.shape[0]
    size = prompt_values.shape[0]
    d = prompt_values.shape[2]
    # query.squeeze(1) then F.normalize(p=2, dim=1)
    q = _l2norm(query[:, 0, :], axis=1)
    # keys = normalize(prompt_values.mean(dim=1))
    keys = _l2norm(jnp.mean(prompt_values, axis=1), axis=1)
    similarity = q @ keys.T  # [BZ, size]
    # eval path (istrain=False): argsort descending, take top-k indices
    k_static = 16
    _, idx = jax.lax.top_k(similarity, k_static)  # [BZ, k]
    idx = idx + jnp.zeros_like(idx) * k
    # prompts = prompt_values[idx.flatten()].view(BZ, k, d), then normalize
    prompts = jnp.take(prompt_values, idx.reshape(-1), axis=0).reshape(BZ, k_static, d)
    prompts = _l2norm(prompts, axis=-1)
    # sel_sim = similarity[arange(BZ)[:,None], idx]
    sel_sim = jnp.take_along_axis(similarity, idx, axis=1)  # [BZ, k]
    sel_key = jnp.take(keys, idx.reshape(-1), axis=0).reshape(BZ, k_static, d)
    recon = jnp.einsum('bk,bkd->bd', sel_sim, sel_key)  # (sel_sim.unsqueeze(1) @ sel_key).squeeze(1)
    diff = jnp.sum((recon - jax.lax.stop_gradient(q)) ** 2) / BZ
    ksim = jnp.sum(jnp.abs(keys @ keys.T - jnp.eye(size, dtype=keys.dtype))) / BZ
    ps_loss = diff + ksim
    return prompts, ps_loss

if __name__ == "__main__":
    import jax
    _d = setup_inputs()
    print(jax.jit(kernel)(*tuple(_d.values())))

</pallas_src>

<mosaic_0001>
#map = affine_map<(d0, d1) -> (0, 0)>
#map1 = affine_map<(d0, d1) -> (0)>
module attributes {stable_mosaic.version = 14 : i64} {
  func.func @body(%arg0: i32, %arg1: i32, %arg2: memref<8192x64xf32, #tpu.memory_space<hbm>>, %arg3: memref<262144xi32, #tpu.memory_space<hbm>>, %arg4: memref<262144x64xf32, #tpu.memory_space<hbm>>, %arg5: memref<1024xi32, #tpu.memory_space<vmem>>, %arg6: memref<1024x64xf32, #tpu.memory_space<vmem>>, %arg7: memref<!tpu.dma_semaphore, #tpu.memory_space<semaphore_mem>>) attributes {dimension_semantics = [#tpu.dimension_semantics<core_parallel>, #tpu.dimension_semantics<subcore_parallel>], iteration_bounds = array<i64: 2, 16>, scalar_prefetch = 0 : i64, scratch_operands = 3 : i64, tpu.core_type = #tpu.core_type<sc_vector_subcore>, window_params = [{transform_indices = #map}, {transform_indices = #map1}, {transform_indices = #map}]} {
    %mul3A = arith.constant 2 : i32
    %mul3A_0 = arith.muli %arg1, %mul3A : i32
    %add3A = arith.addi %mul3A_0, %arg0 : i32
    %mul3A_1 = arith.constant 8192 : i32
    %mul3A_2 = arith.muli %add3A, %mul3A_1 : i32
    %add3A_3 = arith.constant 0 : i32
    %add3A_4 = arith.addi %mul3A_2, %add3A_3 : i32
    "tpu.region"() ({
      %run_scoped3A = tpu.sem_alloc : memref<!tpu.dma_semaphore, #tpu.memory_space<semaphore_mem>>
      %dma_start3A_79 = tpu.memref_slice %arg3[%add3A_4] : memref<262144xi32, #tpu.memory_space<hbm>> -> memref<1024xi32, #tpu.memory_space<hbm>>
      %dma_start3A_80 = tpu.memref_slice %arg3[%add3A_4] : memref<262144xi32, #tpu.memory_space<hbm>> -> memref<1024xi32, #tpu.memory_space<hbm>>
      tpu.enqueue_dma source(%dma_start3A_80 : memref<1024xi32, #tpu.memory_space<hbm>>) target(%arg5 : memref<1024xi32, #tpu.memory_space<vmem>>) target_semaphore(%run_scoped3A : memref<!tpu.dma_semaphore, #tpu.memory_space<semaphore_mem>>)
      %dma_wait3A_81 = tpu.memref_slice %arg3[%add3A_4] : memref<262144xi32, #tpu.memory_space<hbm>> -> memref<1024xi32, #tpu.memory_space<hbm>>
      %dma_wait3A_82 = tpu.memref_slice %arg3[%add3A_4] : memref<262144xi32, #tpu.memory_space<hbm>> -> memref<1024xi32, #tpu.memory_space<hbm>>
      tpu.wait_dma2 semaphore(%run_scoped3A : memref<!tpu.dma_semaphore, #tpu.memory_space<semaphore_mem>>) src(%dma_wait3A_82 : memref<1024xi32, #tpu.memory_space<hbm>>) dst(%arg5 : memref<1024xi32, #tpu.memory_space<vmem>>)
      tpu.yield
    }) : () -> ()
    %dma_start3A = arith.constant 0 : i32
    %dma_start3A_5 = arith.constant 0 : i32
    %dma_start3A_6 = tpu.memref_slice %arg2[%dma_start3A, %dma_start3A_5] : memref<8192x64xf32, #tpu.memory_space<hbm>> -> memref<8192x64xf32, #tpu.memory_space<hbm>>
    tpu.enqueue_indirect_dma source(%dma_start3A_6 : memref<8192x64xf32, #tpu.memory_space<hbm>>) target(%arg6 : memref<1024x64xf32, #tpu.memory_space<vmem>>) offsets(%arg5 : memref<1024xi32, #tpu.memory_space<vmem>>) semaphore(%arg7 : memref<!tpu.dma_semaphore, #tpu.memory_space<semaphore_mem>>)
    %dma_wait3A = arith.constant 0 : i32
    %dma_wait3A_7 = arith.constant 0 : i32
    %dma_wait3A_8 = tpu.memref_slice %arg2[%dma_wait3A, %dma_wait3A_7] : memref<8192x64xf32, #tpu.memory_space<hbm>> -> memref<8192x64xf32, #tpu.memory_space<hbm>>
    tpu.wait_indirect_dma semaphore(%arg7 : memref<!tpu.dma_semaphore, #tpu.memory_space<semaphore_mem>>) src(%dma_wait3A_8 : memref<8192x64xf32, #tpu.memory_space<hbm>>) dst(%arg6 : memref<1024x64xf32, #tpu.memory_space<vmem>>)
    "tpu.region"() ({
      %run_scoped3A = tpu.sem_alloc : memref<!tpu.dma_semaphore, #tpu.memory_space<semaphore_mem>>
      %dma_start3A_79 = arith.constant 0 : i32
      %dma_start3A_80 = tpu.memref_slice %arg4[%add3A_4, %dma_start3A_79] : memref<262144x64xf32, #tpu.memory_space<hbm>> -> memref<1024x64xf32, #tpu.memory_space<hbm>>
      %dma_start3A_81 = arith.constant 0 : i32
      %dma_start3A_82 = tpu.memref_slice %arg4[%add3A_4, %dma_start3A_81] : memref<262144x64xf32, #tpu.memory_space<hbm>> -> memref<1024x64xf32, #tpu.memory_space<hbm>>
      tpu.enqueue_dma source(%arg6 : memref<1024x64xf32, #tpu.memory_space<vmem>>) target(%dma_start3A_82 : memref<1024x64xf32, #tpu.memory_space<hbm>>) target_semaphore(%run_scoped3A : memref<!tpu.dma_semaphore, #tpu.memory_space<semaphore_mem>>)
      %dma_wait3A_83 = arith.constant 0 : i32
      %dma_wait3A_84 = tpu.memref_slice %arg4[%add3A_4, %dma_wait3A_83] : memref<262144x64xf32, #tpu.memory_space<hbm>> -> memref<1024x64xf32, #tpu.memory_space<hbm>>
      %dma_wait3A_85 = arith.constant 0 : i32
      %dma_wait3A_86 = tpu.memref_slice %arg4[%add3A_4, %dma_wait3A_85] : memref<262144x64xf32, #tpu.memory_space<hbm>> -> memref<1024x64xf32, #tpu.memory_space<hbm>>
      tpu.wait_dma2 semaphore(%run_scoped3A : memref<!tpu.dma_semaphore, #tpu.memory_space<semaphore_mem>>) src(%arg6 : memref<1024x64xf32, #tpu.memory_space<vmem>>) dst(%dma_wait3A_86 : memref<1024x64xf32, #tpu.memory_space<hbm>>)
      tpu.yield
    }) : () -> ()
    %mul3A_9 = arith.constant 8192 : i32
    %mul3A_10 = arith.muli %add3A, %mul3A_9 : i32
    %add3A_11 = arith.constant 1024 : i32
    %add3A_12 = arith.addi %mul3A_10, %add3A_11 : i32
    "tpu.region"() ({
      %run_scoped3A = tpu.sem_alloc : memref<!tpu.dma_semaphore, #tpu.memory_space<semaphore_mem>>
      %dma_start3A_79 = tpu.memref_slice %arg3[%add3A_12] : memref<262144xi32, #tpu.memory_space<hbm>> -> memref<1024xi32, #tpu.memory_space<hbm>>
      %dma_start3A_80 = tpu.memref_slice %arg3[%add3A_12] : memref<262144xi32, #tpu.memory_space<hbm>> -> memref<1024xi32, #tpu.memory_space<hbm>>
      tpu.enqueue_dma source(%dma_start3A_80 : memref<1024xi32, #tpu.memory_space<hbm>>) target(%arg5 : memref<1024xi32, #tpu.memory_space<vmem>>) target_semaphore(%run_scoped3A : memref<!tpu.dma_semaphore, #tpu.memory_space<semaphore_mem>>)
      %dma_wait3A_81 = tpu.memref_slice %arg3[%add3A_12] : memref<262144xi32, #tpu.memory_space<hbm>> -> memref<1024xi32, #tpu.memory_space<hbm>>
      %dma_wait3A_82 = tpu.memref_slice %arg3[%add3A_12] : memref<262144xi32, #tpu.memory_space<hbm>> -> memref<1024xi32, #tpu.memory_space<hbm>>
      tpu.wait_dma2 semaphore(%run_scoped3A : memref<!tpu.dma_semaphore, #tpu.memory_space<semaphore_mem>>) src(%dma_wait3A_82 : memref<1024xi32, #tpu.memory_space<hbm>>) dst(%arg5 : memref<1024xi32, #tpu.memory_space<vmem>>)
      tpu.yield
    }) : () -> ()
    %dma_start3A_13 = arith.constant 0 : i32
    %dma_start3A_14 = arith.constant 0 : i32
    %dma_start3A_15 = tpu.memref_slice %arg2[%dma_start3A_13, %dma_start3A_14] : memref<8192x64xf32, #tpu.memory_space<hbm>> -> memref<8192x64xf32, #tpu.memory_space<hbm>>
    tpu.enqueue_indirect_dma source(%dma_start3A_15 : memref<8192x64xf32, #tpu.memory_space<hbm>>) target(%arg6 : memref<1024x64xf32, #tpu.memory_space<vmem>>) offsets(%arg5 : memref<1024xi32, #tpu.memory_space<vmem>>) semaphore(%arg7 : memref<!tpu.dma_semaphore, #tpu.memory_space<semaphore_mem>>)
    %dma_wait3A_16 = arith.constant 0 : i32
    %dma_wait3A_17 = arith.constant 0 : i32
    %dma_wait3A_18 = tpu.memref_slice %arg2[%dma_wait3A_16, %dma_wait3A_17] : memref<8192x64xf32, #tpu.memory_space<hbm>> -> memref<8192x64xf32, #tpu.memory_space<hbm>>
    tpu.wait_indirect_dma semaphore(%arg7 : memref<!tpu.dma_semaphore, #tpu.memory_space<semaphore_mem>>) src(%dma_wait3A_18 : memref<8192x64xf32, #tpu.memory_space<hbm>>) dst(%arg6 : memref<1024x64xf32, #tpu.memory_space<vmem>>)
    "tpu.region"() ({
      %run_scoped3A = tpu.sem_alloc : memref<!tpu.dma_semaphore, #tpu.memory_space<semaphore_mem>>
      %dma_start3A_79 = arith.constant 0 : i32
      %dma_start3A_80 = tpu.memref_slice %arg4[%add3A_12, %dma_start3A_79] : memref<262144x64xf32, #tpu.memory_space<hbm>> -> memref<1024x64xf32, #tpu.memory_space<hbm>>
      %dma_start3A_81 = arith.constant 0 : i32
      %dma_start3A_82 = tpu.memref_slice %arg4[%add3A_12, %dma_start3A_81] : memref<262144x64xf32, #tpu.memory_space<hbm>> -> memref<1024x64xf32, #tpu.memory_space<hbm>>
      tpu.enqueue_dma source(%arg6 : memref<1024x64xf32, #tpu.memory_space<vmem>>) target(%dma_start3A_82 : memref<1024x64xf32, #tpu.memory_space<hbm>>) target_semaphore(%run_scoped3A : memref<!tpu.dma_semaphore, #tpu.memory_space<semaphore_mem>>)
      %dma_wait3A_83 = arith.constant 0 : i32
      %dma_wait3A_84 = tpu.memref_slice %arg4[%add3A_12, %dma_wait3A_83] : memref<262144x64xf32, #tpu.memory_space<hbm>> -> memref<1024x64xf32, #tpu.memory_space<hbm>>
      %dma_wait3A_85 = arith.constant 0 : i32
      %dma_wait3A_86 = tpu.memref_slice %arg4[%add3A_12, %dma_wait3A_85] : memref<262144x64xf32, #tpu.memory_space<hbm>> -> memref<1024x64xf32, #tpu.memory_space<hbm>>
      tpu.wait_dma2 semaphore(%run_scoped3A : memref<!tpu.dma_semaphore, #tpu.memory_space<semaphore_mem>>) src(%arg6 : memref<1024x64xf32, #tpu.memory_space<vmem>>) dst(%dma_wait3A_86 : memref<1024x64xf32, #tpu.memory_space<hbm>>)
      tpu.yield
    }) : () -> ()
    %mul3A_19 = arith.constant 8192 : i32
    %mul3A_20 = arith.muli %add3A, %mul3A_19 : i32
    %add3A_21 = arith.constant 2048 : i32
    %add3A_22 = arith.addi %mul3A_20, %add3A_21 : i32
    "tpu.region"() ({
      %run_scoped3A = tpu.sem_alloc : memref<!tpu.dma_semaphore, #tpu.memory_space<semaphore_mem>>
      %dma_start3A_79 = tpu.memref_slice %arg3[%add3A_22] : memref<262144xi32, #tpu.memory_space<hbm>> -> memref<1024xi32, #tpu.memory_space<hbm>>
      %dma_start3A_80 = tpu.memref_slice %arg3[%add3A_22] : memref<262144xi32, #tpu.memory_space<hbm>> -> memref<1024xi32, #tpu.memory_space<hbm>>
      tpu.enqueue_dma source(%dma_start3A_80 : memref<1024xi32, #tpu.memory_space<hbm>>) target(%arg5 : memref<1024xi32, #tpu.memory_space<vmem>>) target_semaphore(%run_scoped3A : memref<!tpu.dma_semaphore, #tpu.memory_space<semaphore_mem>>)
      %dma_wait3A_81 = tpu.memref_slice %arg3[%add3A_22] : memref<262144xi32, #tpu.memory_space<hbm>> -> memref<1024xi32, #tpu.memory_space<hbm>>
      %dma_wait3A_82 = tpu.memref_slice %arg3[%add3A_22] : memref<262144xi32, #tpu.memory_space<hbm>> -> memref<1024xi32, #tpu.memory_space<hbm>>
      tpu.wait_dma2 semaphore(%run_scoped3A : memref<!tpu.dma_semaphore, #tpu.memory_space<semaphore_mem>>) src(%dma_wait3A_82 : memref<1024xi32, #tpu.memory_space<hbm>>) dst(%arg5 : memref<1024xi32, #tpu.memory_space<vmem>>)
      tpu.yield
    }) : () -> ()
    %dma_start3A_23 = arith.constant 0 : i32
    %dma_start3A_24 = arith.constant 0 : i32
    %dma_start3A_25 = tpu.memref_slice %arg2[%dma_start3A_23, %dma_start3A_24] : memref<8192x64xf32, #tpu.memory_space<hbm>> -> memref<8192x64xf32, #tpu.memory_space<hbm>>
    tpu.enqueue_indirect_dma source(%dma_start3A_25 : memref<8192x64xf32, #tpu.memory_space<hbm>>) target(%arg6 : memref<1024x64xf32, #tpu.memory_space<vmem>>) offsets(%arg5 : memref<1024xi32, #tpu.memory_space<vmem>>) semaphore(%arg7 : memref<!tpu.dma_semaphore, #tpu.memory_space<semaphore_mem>>)
    %dma_wait3A_26 = arith.constant 0 : i32
    %dma_wait3A_27 = arith.constant 0 : i32
    %dma_wait3A_28 = tpu.memref_slice %arg2[%dma_wait3A_26, %dma_wait3A_27] : memref<8192x64xf32, #tpu.memory_space<hbm>> -> memref<8192x64xf32, #tpu.memory_space<hbm>>
    tpu.wait_indirect_dma semaphore(%arg7 : memref<!tpu.dma_semaphore, #tpu.memory_space<semaphore_mem>>) src(%dma_wait3A_28 : memref<8192x64xf32, #tpu.memory_space<hbm>>) dst(%arg6 : memref<1024x64xf32, #tpu.memory_space<vmem>>)
    "tpu.region"() ({
      %run_scoped3A = tpu.sem_alloc : memref<!tpu.dma_semaphore, #tpu.memory_space<semaphore_mem>>
      %dma_start3A_79 = arith.constant 0 : i32
      %dma_start3A_80 = tpu.memref_slice %arg4[%add3A_22, %dma_start3A_79] : memref<262144x64xf32, #tpu.memory_space<hbm>> -> memref<1024x64xf32, #tpu.memory_space<hbm>>
      %dma_start3A_81 = arith.constant 0 : i32
      %dma_start3A_82 = tpu.memref_slice %arg4[%add3A_22, %dma_start3A_81] : memref<262144x64xf32, #tpu.memory_space<hbm>> -> memref<1024x64xf32, #tpu.memory_space<hbm>>
      tpu.enqueue_dma source(%arg6 : memref<1024x64xf32, #tpu.memory_space<vmem>>) target(%dma_start3A_82 : memref<1024x64xf32, #tpu.memory_space<hbm>>) target_semaphore(%run_scoped3A : memref<!tpu.dma_semaphore, #tpu.memory_space<semaphore_mem>>)
      %dma_wait3A_83 = arith.constant 0 : i32
      %dma_wait3A_84 = tpu.memref_slice %arg4[%add3A_22, %dma_wait3A_83] : memref<262144x64xf32, #tpu.memory_space<hbm>> -> memref<1024x64xf32, #tpu.memory_space<hbm>>
      %dma_wait3A_85 = arith.constant 0 : i32
      %dma_wait3A_86 = tpu.memref_slice %arg4[%add3A_22, %dma_wait3A_85] : memref<262144x64xf32, #tpu.memory_space<hbm>> -> memref<1024x64xf32, #tpu.memory_space<hbm>>
      tpu.wait_dma2 semaphore(%run_scoped3A : memref<!tpu.dma_semaphore, #tpu.memory_space<semaphore_mem>>) src(%arg6 : memref<1024x64xf32, #tpu.memory_space<vmem>>) dst(%dma_wait3A_86 : memref<1024x64xf32, #tpu.memory_space<hbm>>)
      tpu.yield
    }) : () -> ()
    %mul3A_29 = arith.constant 8192 : i32
    %mul3A_30 = arith.muli %add3A, %mul3A_29 : i32
    %add3A_31 = arith.constant 3072 : i32
    %add3A_32 = arith.addi %mul3A_30, %add3A_31 : i32
    "tpu.region"() ({
      %run_scoped3A = tpu.sem_alloc : memref<!tpu.dma_semaphore, #tpu.memory_space<semaphore_mem>>
      %dma_start3A_79 = tpu.memref_slice %arg3[%add3A_32] : memref<262144xi32, #tpu.memory_space<hbm>> -> memref<1024xi32, #tpu.memory_space<hbm>>
      %dma_start3A_80 = tpu.memref_slice %arg3[%add3A_32] : memref<262144xi32, #tpu.memory_space<hbm>> -> memref<1024xi32, #tpu.memory_space<hbm>>
      tpu.enqueue_dma source(%dma_start3A_80 : memref<1024xi32, #tpu.memory_space<hbm>>) target(%arg5 : memref<1024xi32, #tpu.memory_space<vmem>>) target_semaphore(%run_scoped3A : memref<!tpu.dma_semaphore, #tpu.memory_space<semaphore_mem>>)
      %dma_wait3A_81 = tpu.memref_slice %arg3[%add3A_32] : memref<262144xi32, #tpu.memory_space<hbm>> -> memref<1024xi32, #tpu.memory_space<hbm>>
      %dma_wait3A_82 = tpu.memref_slice %arg3[%add3A_32] : memref<262144xi32, #tpu.memory_space<hbm>> -> memref<1024xi32, #tpu.memory_space<hbm>>
      tpu.wait_dma2 semaphore(%run_scoped3A : memref<!tpu.dma_semaphore, #tpu.memory_space<semaphore_mem>>) src(%dma_wait3A_82 : memref<1024xi32, #tpu.memory_space<hbm>>) dst(%arg5 : memref<1024xi32, #tpu.memory_space<vmem>>)
      tpu.yield
    }) : () -> ()
    %dma_start3A_33 = arith.constant 0 : i32
    %dma_start3A_34 = arith.constant 0 : i32
    %dma_start3A_35 = tpu.memref_slice %arg2[%dma_start3A_33, %dma_start3A_34] : memref<8192x64xf32, #tpu.memory_space<hbm>> -> memref<8192x64xf32, #tpu.memory_space<hbm>>
    tpu.enqueue_indirect_dma source(%dma_start3A_35 : memref<8192x64xf32, #tpu.memory_space<hbm>>) target(%arg6 : memref<1024x64xf32, #tpu.memory_space<vmem>>) offsets(%arg5 : memref<1024xi32, #tpu.memory_space<vmem>>) semaphore(%arg7 : memref<!tpu.dma_semaphore, #tpu.memory_space<semaphore_mem>>)
    %dma_wait3A_36 = arith.constant 0 : i32
    %dma_wait3A_37 = arith.constant 0 : i32
    %dma_wait3A_38 = tpu.memref_slice %arg2[%dma_wait3A_36, %dma_wait3A_37] : memref<8192x64xf32, #tpu.memory_space<hbm>> -> memref<8192x64xf32, #tpu.memory_space<hbm>>
    tpu.wait_indirect_dma semaphore(%arg7 : memref<!tpu.dma_semaphore, #tpu.memory_space<semaphore_mem>>) src(%dma_wait3A_38 : memref<8192x64xf32, #tpu.memory_space<hbm>>) dst(%arg6 : memref<1024x64xf32, #tpu.memory_space<vmem>>)
    "tpu.region"() ({
      %run_scoped3A = tpu.sem_alloc : memref<!tpu.dma_semaphore, #tpu.memory_space<semaphore_mem>>
      %dma_start3A_79 = arith.constant 0 : i32
      %dma_start3A_80 = tpu.memref_slice %arg4[%add3A_32, %dma_start3A_79] : memref<262144x64xf32, #tpu.memory_space<hbm>> -> memref<1024x64xf32, #tpu.memory_space<hbm>>
      %dma_start3A_81 = arith.constant 0 : i32
      %dma_start3A_82 = tpu.memref_slice %arg4[%add3A_32, %dma_start3A_81] : memref<262144x64xf32, #tpu.memory_space<hbm>> -> memref<1024x64xf32, #tpu.memory_space<hbm>>
      tpu.enqueue_dma source(%arg6 : memref<1024x64xf32, #tpu.memory_space<vmem>>) target(%dma_start3A_82 : memref<1024x64xf32, #tpu.memory_space<hbm>>) target_semaphore(%run_scoped3A : memref<!tpu.dma_semaphore, #tpu.memory_space<semaphore_mem>>)
      %dma_wait3A_83 = arith.constant 0 : i32
      %dma_wait3A_84 = tpu.memref_slice %arg4[%add3A_32, %dma_wait3A_83] : memref<262144x64xf32, #tpu.memory_space<hbm>> -> memref<1024x64xf32, #tpu.memory_space<hbm>>
      %dma_wait3A_85 = arith.constant 0 : i32
      %dma_wait3A_86 = tpu.memref_slice %arg4[%add3A_32, %dma_wait3A_85] : memref<262144x64xf32, #tpu.memory_space<hbm>> -> memref<1024x64xf32, #tpu.memory_space<hbm>>
      tpu.wait_dma2 semaphore(%run_scoped3A : memref<!tpu.dma_semaphore, #tpu.memory_space<semaphore_mem>>) src(%arg6 : memref<1024x64xf32, #tpu.memory_space<vmem>>) dst(%dma_wait3A_86 : memref<1024x64xf32, #tpu.memory_space<hbm>>)
      tpu.yield
    }) : () -> ()
    %mul3A_39 = arith.constant 8192 : i32
    %mul3A_40 = arith.muli %add3A, %mul3A_39 : i32
    %add3A_41 = arith.constant 4096 : i32
    %add3A_42 = arith.addi %mul3A_40, %add3A_41 : i32
    "tpu.region"() ({
      %run_scoped3A = tpu.sem_alloc : memref<!tpu.dma_semaphore, #tpu.memory_space<semaphore_mem>>
      %dma_start3A_79 = tpu.memref_slice %arg3[%add3A_42] : memref<262144xi32, #tpu.memory_space<hbm>> -> memref<1024xi32, #tpu.memory_space<hbm>>
      %dma_start3A_80 = tpu.memref_slice %arg3[%add3A_42] : memref<262144xi32, #tpu.memory_space<hbm>> -> memref<1024xi32, #tpu.memory_space<hbm>>
      tpu.enqueue_dma source(%dma_start3A_80 : memref<1024xi32, #tpu.memory_space<hbm>>) target(%arg5 : memref<1024xi32, #tpu.memory_space<vmem>>) target_semaphore(%run_scoped3A : memref<!tpu.dma_semaphore, #tpu.memory_space<semaphore_mem>>)
      %dma_wait3A_81 = tpu.memref_slice %arg3[%add3A_42] : memref<262144xi32, #tpu.memory_space<hbm>> -> memref<1024xi32, #tpu.memory_space<hbm>>
      %dma_wait3A_82 = tpu.memref_slice %arg3[%add3A_42] : memref<262144xi32, #tpu.memory_space<hbm>> -> memref<1024xi32, #tpu.memory_space<hbm>>
      tpu.wait_dma2 semaphore(%run_scoped3A : memref<!tpu.dma_semaphore, #tpu.memory_space<semaphore_mem>>) src(%dma_wait3A_82 : memref<1024xi32, #tpu.memory_space<hbm>>) dst(%arg5 : memref<1024xi32, #tpu.memory_space<vmem>>)
      tpu.yield
    }) : () -> ()
    %dma_start3A_43 = arith.constant 0 : i32
    %dma_start3A_44 = arith.constant 0 : i32
    %dma_start3A_45 = tpu.memref_slice %arg2[%dma_start3A_43, %dma_start3A_44] : memref<8192x64xf32, #tpu.memory_space<hbm>> -> memref<8192x64xf32, #tpu.memory_space<hbm>>
    tpu.enqueue_indirect_dma source(%dma_start3A_45 : memref<8192x64xf32, #tpu.memory_space<hbm>>) target(%arg6 : memref<1024x64xf32, #tpu.memory_space<vmem>>) offsets(%arg5 : memref<1024xi32, #tpu.memory_space<vmem>>) semaphore(%arg7 : memref<!tpu.dma_semaphore, #tpu.memory_space<semaphore_mem>>)
    %dma_wait3A_46 = arith.constant 0 : i32
    %dma_wait3A_47 = arith.constant 0 : i32
    %dma_wait3A_48 = tpu.memref_slice %arg2[%dma_wait3A_46, %dma_wait3A_47] : memref<8192x64xf32, #tpu.memory_space<hbm>> -> memref<8192x64xf32, #tpu.memory_space<hbm>>
    tpu.wait_indirect_dma semaphore(%arg7 : memref<!tpu.dma_semaphore, #tpu.memory_space<semaphore_mem>>) src(%dma_wait3A_48 : memref<8192x64xf32, #tpu.memory_space<hbm>>) dst(%arg6 : memref<1024x64xf32, #tpu.memory_space<vmem>>)
    "tpu.region"() ({
      %run_scoped3A = tpu.sem_alloc : memref<!tpu.dma_semaphore, #tpu.memory_space<semaphore_mem>>
      %dma_start3A_79 = arith.constant 0 : i32
      %dma_start3A_80 = tpu.memref_slice %arg4[%add3A_42, %dma_start3A_79] : memref<262144x64xf32, #tpu.memory_space<hbm>> -> memref<1024x64xf32, #tpu.memory_space<hbm>>
      %dma_start3A_81 = arith.constant 0 : i32
      %dma_start3A_82 = tpu.memref_slice %arg4[%add3A_42, %dma_start3A_81] : memref<262144x64xf32, #tpu.memory_space<hbm>> -> memref<1024x64xf32, #tpu.memory_space<hbm>>
      tpu.enqueue_dma source(%arg6 : memref<1024x64xf32, #tpu.memory_space<vmem>>) target(%dma_start3A_82 : memref<1024x64xf32, #tpu.memory_space<hbm>>) target_semaphore(%run_scoped3A : memref<!tpu.dma_semaphore, #tpu.memory_space<semaphore_mem>>)
      %dma_wait3A_83 = arith.constant 0 : i32
      %dma_wait3A_84 = tpu.memref_slice %arg4[%add3A_42, %dma_wait3A_83] : memref<262144x64xf32, #tpu.memory_space<hbm>> -> memref<1024x64xf32, #tpu.memory_space<hbm>>
      %dma_wait3A_85 = arith.constant 0 : i32
      %dma_wait3A_86 = tpu.memref_slice %arg4[%add3A_42, %dma_wait3A_85] : memref<262144x64xf32, #tpu.memory_space<hbm>> -> memref<1024x64xf32, #tpu.memory_space<hbm>>
      tpu.wait_dma2 semaphore(%run_scoped3A : memref<!tpu.dma_semaphore, #tpu.memory_space<semaphore_mem>>) src(%arg6 : memref<1024x64xf32, #tpu.memory_space<vmem>>) dst(%dma_wait3A_86 : memref<1024x64xf32, #tpu.memory_space<hbm>>)
      tpu.yield
    }) : () -> ()
    %mul3A_49 = arith.constant 8192 : i32
    %mul3A_50 = arith.muli %add3A, %mul3A_49 : i32
    %add3A_51 = arith.constant 5120 : i32
    %add3A_52 = arith.addi %mul3A_50, %add3A_51 : i32
    "tpu.region"() ({
      %run_scoped3A = tpu.sem_alloc : memref<!tpu.dma_semaphore, #tpu.memory_space<semaphore_mem>>
      %dma_start3A_79 = tpu.memref_slice %arg3[%add3A_52] : memref<262144xi32, #tpu.memory_space<hbm>> -> memref<1024xi32, #tpu.memory_space<hbm>>
      %dma_start3A_80 = tpu.memref_slice %arg3[%add3A_52] : memref<262144xi32, #tpu.memory_space<hbm>> -> memref<1024xi32, #tpu.memory_space<hbm>>
      tpu.enqueue_dma source(%dma_start3A_80 : memref<1024xi32, #tpu.memory_space<hbm>>) target(%arg5 : memref<1024xi32, #tpu.memory_space<vmem>>) target_semaphore(%run_scoped3A : memref<!tpu.dma_semaphore, #tpu.memory_space<semaphore_mem>>)
      %dma_wait3A_81 = tpu.memref_slice %arg3[%add3A_52] : memref<262144xi32, #tpu.memory_space<hbm>> -> memref<1024xi32, #tpu.memory_space<hbm>>
      %dma_wait3A_82 = tpu.memref_slice %arg3[%add3A_52] : memref<262144xi32, #tpu.memory_space<hbm>> -> memref<1024xi32, #tpu.memory_space<hbm>>
      tpu.wait_dma2 semaphore(%run_scoped3A : memref<!tpu.dma_semaphore, #tpu.memory_space<semaphore_mem>>) src(%dma_wait3A_82 : memref<1024xi32, #tpu.memory_space<hbm>>) dst(%arg5 : memref<1024xi32, #tpu.memory_space<vmem>>)
      tpu.yield
    }) : () -> ()
    %dma_start3A_53 = arith.constant 0 : i32
    %dma_start3A_54 = arith.constant 0 : i32
    %dma_start3A_55 = tpu.memref_slice %arg2[%dma_start3A_53, %dma_start3A_54] : memref<8192x64xf32, #tpu.memory_space<hbm>> -> memref<8192x64xf32, #tpu.memory_space<hbm>>
    tpu.enqueue_indirect_dma source(%dma_start3A_55 : memref<8192x64xf32, #tpu.memory_space<hbm>>) target(%arg6 : memref<1024x64xf32, #tpu.memory_space<vmem>>) offsets(%arg5 : memref<1024xi32, #tpu.memory_space<vmem>>) semaphore(%arg7 : memref<!tpu.dma_semaphore, #tpu.memory_space<semaphore_mem>>)
    %dma_wait3A_56 = arith.constant 0 : i32
    %dma_wait3A_57 = arith.constant 0 : i32
    %dma_wait3A_58 = tpu.memref_slice %arg2[%dma_wait3A_56, %dma_wait3A_57] : memref<8192x64xf32, #tpu.memory_space<hbm>> -> memref<8192x64xf32, #tpu.memory_space<hbm>>
    tpu.wait_indirect_dma semaphore(%arg7 : memref<!tpu.dma_semaphore, #tpu.memory_space<semaphore_mem>>) src(%dma_wait3A_58 : memref<8192x64xf32, #tpu.memory_space<hbm>>) dst(%arg6 : memref<1024x64xf32, #tpu.memory_space<vmem>>)
    "tpu.region"() ({
      %run_scoped3A = tpu.sem_alloc : memref<!tpu.dma_semaphore, #tpu.memory_space<semaphore_mem>>
      %dma_start3A_79 = arith.constant 0 : i32
      %dma_start3A_80 = tpu.memref_slice %arg4[%add3A_52, %dma_start3A_79] : memref<262144x64xf32, #tpu.memory_space<hbm>> -> memref<1024x64xf32, #tpu.memory_space<hbm>>
      %dma_start3A_81 = arith.constant 0 : i32
      %dma_start3A_82 = tpu.memref_slice %arg4[%add3A_52, %dma_start3A_81] : memref<262144x64xf32, #tpu.memory_space<hbm>> -> memref<1024x64xf32, #tpu.memory_space<hbm>>
      tpu.enqueue_dma source(%arg6 : memref<1024x64xf32, #tpu.memory_space<vmem>>) target(%dma_start3A_82 : memref<1024x64xf32, #tpu.memory_space<hbm>>) target_semaphore(%run_scoped3A : memref<!tpu.dma_semaphore, #tpu.memory_space<semaphore_mem>>)
      %dma_wait3A_83 = arith.constant 0 : i32
      %dma_wait3A_84 = tpu.memref_slice %arg4[%add3A_52, %dma_wait3A_83] : memref<262144x64xf32, #tpu.memory_space<hbm>> -> memref<1024x64xf32, #tpu.memory_space<hbm>>
      %dma_wait3A_85 = arith.constant 0 : i32
      %dma_wait3A_86 = tpu.memref_slice %arg4[%add3A_52, %dma_wait3A_85] : memref<262144x64xf32, #tpu.memory_space<hbm>> -> memref<1024x64xf32, #tpu.memory_space<hbm>>
      tpu.wait_dma2 semaphore(%run_scoped3A : memref<!tpu.dma_semaphore, #tpu.memory_space<semaphore_mem>>) src(%arg6 : memref<1024x64xf32, #tpu.memory_space<vmem>>) dst(%dma_wait3A_86 : memref<1024x64xf32, #tpu.memory_space<hbm>>)
      tpu.yield
    }) : () -> ()
    %mul3A_59 = arith.constant 8192 : i32
    %mul3A_60 = arith.muli %add3A, %mul3A_59 : i32
    %add3A_61 = arith.constant 6144 : i32
    %add3A_62 = arith.addi %mul3A_60, %add3A_61 : i32
    "tpu.region"() ({
      %run_scoped3A = tpu.sem_alloc : memref<!tpu.dma_semaphore, #tpu.memory_space<semaphore_mem>>
      %dma_start3A_79 = tpu.memref_slice %arg3[%add3A_62] : memref<262144xi32, #tpu.memory_space<hbm>> -> memref<1024xi32, #tpu.memory_space<hbm>>
      %dma_start3A_80 = tpu.memref_slice %arg3[%add3A_62] : memref<262144xi32, #tpu.memory_space<hbm>> -> memref<1024xi32, #tpu.memory_space<hbm>>
      tpu.enqueue_dma source(%dma_start3A_80 : memref<1024xi32, #tpu.memory_space<hbm>>) target(%arg5 : memref<1024xi32, #tpu.memory_space<vmem>>) target_semaphore(%run_scoped3A : memref<!tpu.dma_semaphore, #tpu.memory_space<semaphore_mem>>)
      %dma_wait3A_81 = tpu.memref_slice %arg3[%add3A_62] : memref<262144xi32, #tpu.memory_space<hbm>> -> memref<1024xi32, #tpu.memory_space<hbm>>
      %dma_wait3A_82 = tpu.memref_slice %arg3[%add3A_62] : memref<262144xi32, #tpu.memory_space<hbm>> -> memref<1024xi32, #tpu.memory_space<hbm>>
      tpu.wait_dma2 semaphore(%run_scoped3A : memref<!tpu.dma_semaphore, #tpu.memory_space<semaphore_mem>>) src(%dma_wait3A_82 : memref<1024xi32, #tpu.memory_space<hbm>>) dst(%arg5 : memref<1024xi32, #tpu.memory_space<vmem>>)
      tpu.yield
    }) : () -> ()
    %dma_start3A_63 = arith.constant 0 : i32
    %dma_start3A_64 = arith.constant 0 : i32
    %dma_start3A_65 = tpu.memref_slice %arg2[%dma_start3A_63, %dma_start3A_64] : memref<8192x64xf32, #tpu.memory_space<hbm>> -> memref<8192x64xf32, #tpu.memory_space<hbm>>
    tpu.enqueue_indirect_dma source(%dma_start3A_65 : memref<8192x64xf32, #tpu.memory_space<hbm>>) target(%arg6 : memref<1024x64xf32, #tpu.memory_space<vmem>>) offsets(%arg5 : memref<1024xi32, #tpu.memory_space<vmem>>) semaphore(%arg7 : memref<!tpu.dma_semaphore, #tpu.memory_space<semaphore_mem>>)
    %dma_wait3A_66 = arith.constant 0 : i32
    %dma_wait3A_67 = arith.constant 0 : i32
    %dma_wait3A_68 = tpu.memref_slice %arg2[%dma_wait3A_66, %dma_wait3A_67] : memref<8192x64xf32, #tpu.memory_space<hbm>> -> memref<8192x64xf32, #tpu.memory_space<hbm>>
    tpu.wait_indirect_dma semaphore(%arg7 : memref<!tpu.dma_semaphore, #tpu.memory_space<semaphore_mem>>) src(%dma_wait3A_68 : memref<8192x64xf32, #tpu.memory_space<hbm>>) dst(%arg6 : memref<1024x64xf32, #tpu.memory_space<vmem>>)
    "tpu.region"() ({
      %run_scoped3A = tpu.sem_alloc : memref<!tpu.dma_semaphore, #tpu.memory_space<semaphore_mem>>
      %dma_start3A_79 = arith.constant 0 : i32
      %dma_start3A_80 = tpu.memref_slice %arg4[%add3A_62, %dma_start3A_79] : memref<262144x64xf32, #tpu.memory_space<hbm>> -> memref<1024x64xf32, #tpu.memory_space<hbm>>
      %dma_start3A_81 = arith.constant 0 : i32
      %dma_start3A_82 = tpu.memref_slice %arg4[%add3A_62, %dma_start3A_81] : memref<262144x64xf32, #tpu.memory_space<hbm>> -> memref<1024x64xf32, #tpu.memory_space<hbm>>
      tpu.enqueue_dma source(%arg6 : memref<1024x64xf32, #tpu.memory_space<vmem>>) target(%dma_start3A_82 : memref<1024x64xf32, #tpu.memory_space<hbm>>) target_semaphore(%run_scoped3A : memref<!tpu.dma_semaphore, #tpu.memory_space<semaphore_mem>>)
      %dma_wait3A_83 = arith.constant 0 : i32
      %dma_wait3A_84 = tpu.memref_slice %arg4[%add3A_62, %dma_wait3A_83] : memref<262144x64xf32, #tpu.memory_space<hbm>> -> memref<1024x64xf32, #tpu.memory_space<hbm>>
      %dma_wait3A_85 = arith.constant 0 : i32
      %dma_wait3A_86 = tpu.memref_slice %arg4[%add3A_62, %dma_wait3A_85] : memref<262144x64xf32, #tpu.memory_space<hbm>> -> memref<1024x64xf32, #tpu.memory_space<hbm>>
      tpu.wait_dma2 semaphore(%run_scoped3A : memref<!tpu.dma_semaphore, #tpu.memory_space<semaphore_mem>>) src(%arg6 : memref<1024x64xf32, #tpu.memory_space<vmem>>) dst(%dma_wait3A_86 : memref<1024x64xf32, #tpu.memory_space<hbm>>)
      tpu.yield
    }) : () -> ()
    %mul3A_69 = arith.constant 8192 : i32
    %mul3A_70 = arith.muli %add3A, %mul3A_69 : i32
    %add3A_71 = arith.constant 7168 : i32
    %add3A_72 = arith.addi %mul3A_70, %add3A_71 : i32
    "tpu.region"() ({
      %run_scoped3A = tpu.sem_alloc : memref<!tpu.dma_semaphore, #tpu.memory_space<semaphore_mem>>
      %dma_start3A_79 = tpu.memref_slice %arg3[%add3A_72] : memref<262144xi32, #tpu.memory_space<hbm>> -> memref<1024xi32, #tpu.memory_space<hbm>>
      %dma_start3A_80 = tpu.memref_slice %arg3[%add3A_72] : memref<262144xi32, #tpu.memory_space<hbm>> -> memref<1024xi32, #tpu.memory_space<hbm>>
      tpu.enqueue_dma source(%dma_start3A_80 : memref<1024xi32, #tpu.memory_space<hbm>>) target(%arg5 : memref<1024xi32, #tpu.memory_space<vmem>>) target_semaphore(%run_scoped3A : memref<!tpu.dma_semaphore, #tpu.memory_space<semaphore_mem>>)
      %dma_wait3A_81 = tpu.memref_slice %arg3[%add3A_72] : memref<262144xi32, #tpu.memory_space<hbm>> -> memref<1024xi32, #tpu.memory_space<hbm>>
      %dma_wait3A_82 = tpu.memref_slice %arg3[%add3A_72] : memref<262144xi32, #tpu.memory_space<hbm>> -> memref<1024xi32, #tpu.memory_space<hbm>>
      tpu.wait_dma2 semaphore(%run_scoped3A : memref<!tpu.dma_semaphore, #tpu.memory_space<semaphore_mem>>) src(%dma_wait3A_82 : memref<1024xi32, #tpu.memory_space<hbm>>) dst(%arg5 : memref<1024xi32, #tpu.memory_space<vmem>>)
      tpu.yield
    }) : () -> ()
    %dma_start3A_73 = arith.constant 0 : i32
    %dma_start3A_74 = arith.constant 0 : i32
    %dma_start3A_75 = tpu.memref_slice %arg2[%dma_start3A_73, %dma_start3A_74] : memref<8192x64xf32, #tpu.memory_space<hbm>> -> memref<8192x64xf32, #tpu.memory_space<hbm>>
    tpu.enqueue_indirect_dma source(%dma_start3A_75 : memref<8192x64xf32, #tpu.memory_space<hbm>>) target(%arg6 : memref<1024x64xf32, #tpu.memory_space<vmem>>) offsets(%arg5 : memref<1024xi32, #tpu.memory_space<vmem>>) semaphore(%arg7 : memref<!tpu.dma_semaphore, #tpu.memory_space<semaphore_mem>>)
    %dma_wait3A_76 = arith.constant 0 : i32
    %dma_wait3A_77 = arith.constant 0 : i32
    %dma_wait3A_78 = tpu.memref_slice %arg2[%dma_wait3A_76, %dma_wait3A_77] : memref<8192x64xf32, #tpu.memory_space<hbm>> -> memref<8192x64xf32, #tpu.memory_space<hbm>>
    tpu.wait_indirect_dma semaphore(%arg7 : memref<!tpu.dma_semaphore, #tpu.memory_space<semaphore_mem>>) src(%dma_wait3A_78 : memref<8192x64xf32, #tpu.memory_space<hbm>>) dst(%arg6 : memref<1024x64xf32, #tpu.memory_space<vmem>>)
    "tpu.region"() ({
      %run_scoped3A = tpu.sem_alloc : memref<!tpu.dma_semaphore, #tpu.memory_space<semaphore_mem>>
      %dma_start3A_79 = arith.constant 0 : i32
      %dma_start3A_80 = tpu.memref_slice %arg4[%add3A_72, %dma_start3A_79] : memref<262144x64xf32, #tpu.memory_space<hbm>> -> memref<1024x64xf32, #tpu.memory_space<hbm>>
      %dma_start3A_81 = arith.constant 0 : i32
      %dma_start3A_82 = tpu.memref_slice %arg4[%add3A_72, %dma_start3A_81] : memref<262144x64xf32, #tpu.memory_space<hbm>> -> memref<1024x64xf32, #tpu.memory_space<hbm>>
      tpu.enqueue_dma source(%arg6 : memref<1024x64xf32, #tpu.memory_space<vmem>>) target(%dma_start3A_82 : memref<1024x64xf32, #tpu.memory_space<hbm>>) target_semaphore(%run_scoped3A : memref<!tpu.dma_semaphore, #tpu.memory_space<semaphore_mem>>)
      %dma_wait3A_83 = arith.constant 0 : i32
      %dma_wait3A_84 = tpu.memref_slice %arg4[%add3A_72, %dma_wait3A_83] : memref<262144x64xf32, #tpu.memory_space<hbm>> -> memref<1024x64xf32, #tpu.memory_space<hbm>>
      %dma_wait3A_85 = arith.constant 0 : i32
      %dma_wait3A_86 = tpu.memref_slice %arg4[%add3A_72, %dma_wait3A_85] : memref<262144x64xf32, #tpu.memory_space<hbm>> -> memref<1024x64xf32, #tpu.memory_space<hbm>>
      tpu.wait_dma2 semaphore(%run_scoped3A : memref<!tpu.dma_semaphore, #tpu.memory_space<semaphore_mem>>) src(%arg6 : memref<1024x64xf32, #tpu.memory_space<vmem>>) dst(%dma_wait3A_86 : memref<1024x64xf32, #tpu.memory_space<hbm>>)
      tpu.yield
    }) : () -> ()
    return
  }
}

module attributes {stable_mosaic.version = 14 : i64} {
  func.func @_keys_body(%arg0: memref<8192x1x64xf32, #tpu.memory_space<vmem>>, %arg1: memref<8192x64xf32, #tpu.memory_space<vmem>>) attributes {dimension_semantics = [], scalar_prefetch = 0 : i64, scratch_operands = 0 : i64, tpu.core_type = #tpu.core_type<tc>} {
    %get3A = arith.constant 0 : index
    %get3A_0 = arith.constant 0 : index
    %get3A_1 = arith.constant 0 : index
    %get3A_2 = vector.load %arg0[%get3A, %get3A_0, %get3A_1] : memref<8192x1x64xf32, #tpu.memory_space<vmem>>, vector<8192x1x64xf32>
    %get3A_3 = vector.shape_cast %get3A_2 : vector<8192x1x64xf32> to vector<8192x64xf32>
    %mul3A = arith.mulf %get3A_3, %get3A_3 : vector<8192x64xf32>
    %reduce_sum3A = arith.constant dense<0.000000e+00> : vector<8192xf32>
    %reduce_sum3A_4 = vector.multi_reduction <add>, %mul3A, %reduce_sum3A [1] : vector<8192x64xf32> to vector<8192xf32>
    %broadcast_in_dim3A = vector.shape_cast %reduce_sum3A_4 : vector<8192xf32> to vector<8192x1xf32>
    %sqrt3A = math.sqrt %broadcast_in_dim3A : vector<8192x1xf32>
    %max3A = arith.constant 9.99999996E-13 : f32
    %max3A_5 = vector.broadcast %max3A : f32 to vector<8192x1xf32>
    %max3A_6 = arith.maximumf %sqrt3A, %max3A_5 : vector<8192x1xf32>
    %div3A = vector.broadcast %max3A_6 : vector<8192x1xf32> to vector<8192x64xf32>
    %div3A_7 = arith.divf %get3A_3, %div3A : vector<8192x64xf32>
    %swap3A = arith.constant 0 : index
    %swap3A_8 = arith.constant 0 : index
    %swap3A_9 = vector.load %arg1[%swap3A, %swap3A_8] : memref<8192x64xf32, #tpu.memory_space<vmem>>, vector<8192x64xf32>
    tpu.vector_store %arg1[%swap3A, %swap3A_8], %div3A_7 {strides = array<i32>} : memref<8192x64xf32, #tpu.memory_space<vmem>>, vector<8192x64xf32>,
    return
  }
}

module attributes {stable_mosaic.version = 14 : i64} {
  func.func @_topk_body(%arg0: i32, %arg1: memref<256x1x64xf32, #tpu.memory_space<vmem>>, %arg2: memref<8192x64xf32, #tpu.memory_space<vmem>>, %arg3: memref<256x16xf32, #tpu.memory_space<vmem>>, %arg4: memref<256x16xi32, #tpu.memory_space<vmem>>) attributes {dimension_semantics = [#tpu.dimension_semantics<arbitrary>], iteration_bounds = array<i64: 64>, scalar_prefetch = 0 : i64, scratch_operands = 0 : i64, tpu.core_type = #tpu.core_type<tc>, window_params = [{transform_indices = @transform_0, window_bounds = array<i64: 256, 1, 64>}, {pipeline_mode = #tpu.pipeline_mode<synchronous>, transform_indices = @transform_1, window_bounds = array<i64: 8192, 64>}, {transform_indices = @transform_2, window_bounds = array<i64: 256, 16>}, {transform_indices = @transform_3, window_bounds = array<i64: 256, 16>}]} {
    %get3A = arith.constant 0 : index
    %get3A_0 = arith.constant 0 : index
    %get3A_1 = arith.constant 0 : index
    %get3A_2 = vector.load %arg1[%get3A, %get3A_0, %get3A_1] : memref<256x1x64xf32, #tpu.memory_space<vmem>>, vector<256x1x64xf32>
    %get3A_3 = vector.shape_cast %get3A_2 : vector<256x1x64xf32> to vector<256x64xf32>
    %mul3A = arith.mulf %get3A_3, %get3A_3 : vector<256x64xf32>
    %reduce_sum3A = arith.constant dense<0.000000e+00> : vector<256xf32>
    %reduce_sum3A_4 = vector.multi_reduction <add>, %mul3A, %reduce_sum3A [1] : vector<256x64xf32> to vector<256xf32>
    %broadcast_in_dim3A = vector.shape_cast %reduce_sum3A_4 : vector<256xf32> to vector<256x1xf32>
    %sqrt3A = math.sqrt %broadcast_in_dim3A : vector<256x1xf32>
    %max3A = arith.constant 9.99999996E-13 : f32
    %max3A_5 = vector.broadcast %max3A : f32 to vector<256x1xf32>
    %max3A_6 = arith.maximumf %sqrt3A, %max3A_5 : vector<256x1xf32>
    %div3A = vector.broadcast %max3A_6 : vector<256x1xf32> to vector<256x64xf32>
    %div3A_7 = arith.divf %get3A_3, %div3A : vector<256x64xf32>
    %get3A_8 = arith.constant 0 : index
    %get3A_9 = arith.constant 0 : index
    %get3A_10 = vector.load %arg2[%get3A_8, %get3A_9] : memref<8192x64xf32, #tpu.memory_space<vmem>>, vector<8192x64xf32>
    %dot_general3A = arith.constant dense<0.000000e+00> : vector<256x8192xf32>
    %dot_general3A_11 = tpu.matmul %div3A_7, %get3A_10, %dot_general3A {dimension_numbers = #tpu.dot_dimension_numbers<[1], [1], [0], [0], [0, 0, 1, 0], [], []>, transpose_lhs_hint = false} : vector<256x64xf32>, vector<8192x64xf32>, vector<256x8192xf32> -> vector<256x8192xf32>
    %iota3A = tpu.iota {dimensions = array<i32: 1>} : vector<256x8192xi32>
    %reduce_max3A = arith.constant dense<0xFF800000> : vector<256xf32>
    %reduce_max3A_12 = vector.multi_reduction <maximumf>, %dot_general3A_11, %reduce_max3A [1] : vector<256x8192xf32> to vector<256xf32>
    %broadcast_in_dim3A_13 = vector.shape_cast %reduce_max3A_12 : vector<256xf32> to vector<256x1xf32>
    %eq3A = vector.broadcast %broadcast_in_dim3A_13 : vector<256x1xf32> to vector<256x8192xf32>
    %eq3A_14 = arith.cmpf oeq, %dot_general3A_11, %eq3A : vector<256x8192xf32>
    %jit3A = arith.constant 1073741824 : i32
    %broadcast_in_dim3A_15 = vector.broadcast %jit3A : i32 to vector<256x8192xi32>
    %select_n3A = arith.select %eq3A_14, %iota3A, %broadcast_in_dim3A_15 : vector<256x8192xi1>, vector<256x8192xi32>
    %reduce_min3A = arith.constant dense<2147483647> : vector<256xi32>
    %reduce_min3A_16 = vector.multi_reduction <minsi>, %select_n3A, %reduce_min3A [1] : vector<256x8192xi32> to vector<256xi32>
    %broadcast_in_dim3A_17 = vector.shape_cast %reduce_min3A_16 : vector<256xi32> to vector<256x1xi32>
    %eq3A_18 = vector.broadcast %broadcast_in_dim3A_17 : vector<256x1xi32> to vector<256x8192xi32>
    %eq3A_19 = arith.cmpi eq, %iota3A, %eq3A_18 : vector<256x8192xi32>
    %jit3A_20 = arith.constant 0xFF800000 : f32
    %broadcast_in_dim3A_21 = vector.broadcast %jit3A_20 : f32 to vector<256x8192xf32>
    %select_n3A_22 = arith.select %eq3A_19, %broadcast_in_dim3A_21, %dot_general3A_11 : vector<256x8192xi1>, vector<256x8192xf32>
    %reduce_max3A_23 = arith.constant dense<0xFF800000> : vector<256xf32>
    %reduce_max3A_24 = vector.multi_reduction <maximumf>, %select_n3A_22, %reduce_max3A_23 [1] : vector<256x8192xf32> to vector<256xf32>
    %broadcast_in_dim3A_25 = vector.shape_cast %reduce_max3A_24 : vector<256xf32> to vector<256x1xf32>
    %eq3A_26 = vector.broadcast %broadcast_in_dim3A_25 : vector<256x1xf32> to vector<256x8192xf32>
    %eq3A_27 = arith.cmpf oeq, %select_n3A_22, %eq3A_26 : vector<256x8192xf32>
    %jit3A_28 = arith.constant 1073741824 : i32
    %broadcast_in_dim3A_29 = vector.broadcast %jit3A_28 : i32 to vector<256x8192xi32>
    %select_n3A_30 = arith.select %eq3A_27, %iota3A, %broadcast_in_dim3A_29 : vector<256x8192xi1>, vector<256x8192xi32>
    %reduce_min3A_31 = arith.constant dense<2147483647> : vector<256xi32>
    %reduce_min3A_32 = vector.multi_reduction <minsi>, %select_n3A_30, %reduce_min3A_31 [1] : vector<256x8192xi32> to vector<256xi32>
    %broadcast_in_dim3A_33 = vector.shape_cast %reduce_min3A_32 : vector<256xi32> to vector<256x1xi32>
    %eq3A_34 = vector.broadcast %broadcast_in_dim3A_33 : vector<256x1xi32> to vector<256x8192xi32>
    %eq3A_35 = arith.cmpi eq, %iota3A, %eq3A_34 : vector<256x8192xi32>
    %jit3A_36 = arith.constant 0xFF800000 : f32
    %broadcast_in_dim3A_37 = vector.broadcast %jit3A_36 : f32 to vector<256x8192xf32>
    %select_n3A_38 = arith.select %eq3A_35, %broadcast_in_dim3A_37, %select_n3A_22 : vector<256x8192xi1>, vector<256x8192xf32>
    %reduce_max3A_39 = arith.constant dense<0xFF800000> : vector<256xf32>
    %reduce_max3A_40 = vector.multi_reduction <maximumf>, %select_n3A_38, %reduce_max3A_39 [1] : vector<256x8192xf32> to vector<256xf32>
    %broadcast_in_dim3A_41 = vector.shape_cast %reduce_max3A_40 : vector<256xf32> to vector<256x1xf32>
    %eq3A_42 = vector.broadcast %broadcast_in_dim3A_41 : vector<256x1xf32> to vector<256x8192xf32>
    %eq3A_43 = arith.cmpf oeq, %select_n3A_38, %eq3A_42 : vector<256x8192xf32>
    %jit3A_44 = arith.constant 1073741824 : i32
    %broadcast_in_dim3A_45 = vector.broadcast %jit3A_44 : i32 to vector<256x8192xi32>
    %select_n3A_46 = arith.select %eq3A_43, %iota3A, %broadcast_in_dim3A_45 : vector<256x8192xi1>, vector<256x8192xi32>
    %reduce_min3A_47 = arith.constant dense<2147483647> : vector<256xi32>
    %reduce_min3A_48 = vector.multi_reduction <minsi>, %select_n3A_46, %reduce_min3A_47 [1] : vector<256x8192xi32> to vector<256xi32>
    %broadcast_in_dim3A_49 = vector.shape_cast %reduce_min3A_48 : vector<256xi32> to vector<256x1xi32>
    %eq3A_50 = vector.broadcast %broadcast_in_dim3A_49 : vector<256x1xi32> to vector<256x8192xi32>
    %eq3A_51 = arith.cmpi eq, %iota3A, %eq3A_50 : vector<256x8192xi32>
    %jit3A_52 = arith.constant 0xFF800000 : f32
    %broadcast_in_dim3A_53 = vector.broadcast %jit3A_52 : f32 to vector<256x8192xf32>
    %select_n3A_54 = arith.select %eq3A_51, %broadcast_in_dim3A_53, %select_n3A_38 : vector<256x8192xi1>, vector<256x8192xf32>
    %reduce_max3A_55 = arith.constant dense<0xFF800000> : vector<256xf32>
    %reduce_max3A_56 = vector.multi_reduction <maximumf>, %select_n3A_54, %reduce_max3A_55 [1] : vector<256x8192xf32> to vector<256xf32>
    %broadcast_in_dim3A_57 = vector.shape_cast %reduce_max3A_56 : vector<256xf32> to vector<256x1xf32>
    %eq3A_58 = vector.broadcast %broadcast_in_dim3A_57 : vector<256x1xf32> to vector<256x8192xf32>
    %eq3A_59 = arith.cmpf oeq, %select_n3A_54, %eq3A_58 : vector<256x8192xf32>
    %jit3A_60 = arith.constant 1073741824 : i32
    %broadcast_in_dim3A_61 = vector.broadcast %jit3A_60 : i32 to vector<256x8192xi32>
    %select_n3A_62 = arith.select %eq3A_59, %iota3A, %broadcast_in_dim3A_61 : vector<256x8192xi1>, vector<256x8192xi32>
    %reduce_min3A_63 = arith.constant dense<2147483647> : vector<256xi32>
    %reduce_min3A_64 = vector.multi_reduction <minsi>, %select_n3A_62, %reduce_min3A_63 [1] : vector<256x8192xi32> to vector<256xi32>
    %broadcast_in_dim3A_65 = vector.shape_cast %reduce_min3A_64 : vector<256xi32> to vector<256x1xi32>
    %eq3A_66 = vector.broadcast %broadcast_in_dim3A_65 : vector<256x1xi32> to vector<256x8192xi32>
    %eq3A_67 = arith.cmpi eq, %iota3A, %eq3A_66 : vector<256x8192xi32>
    %jit3A_68 = arith.constant 0xFF800000 : f32
    %broadcast_in_dim3A_69 = vector.broadcast %jit3A_68 : f32 to vector<256x8192xf32>
    %select_n3A_70 = arith.select %eq3A_67, %broadcast_in_dim3A_69, %select_n3A_54 : vector<256x8192xi1>, vector<256x8192xf32>
    %reduce_max3A_71 = arith.constant dense<0xFF800000> : vector<256xf32>
    %reduce_max3A_72 = vector.multi_reduction <maximumf>, %select_n3A_70, %reduce_max3A_71 [1] : vector<256x8192xf32> to vector<256xf32>
    %broadcast_in_dim3A_73 = vector.shape_cast %reduce_max3A_72 : vector<256xf32> to vector<256x1xf32>
    %eq3A_74 = vector.broadcast %broadcast_in_dim3A_73 : vector<256x1xf32> to vector<256x8192xf32>
    %eq3A_75 = arith.cmpf oeq, %select_n3A_70, %eq3A_74 : vector<256x8192xf32>
    %jit3A_76 = arith.constant 1073741824 : i32
    %broadcast_in_dim3A_77 = vector.broadcast %jit3A_76 : i32 to vector<256x8192xi32>
    %select_n3A_78 = arith.select %eq3A_75, %iota3A, %broadcast_in_dim3A_77 : vector<256x8192xi1>, vector<256x8192xi32>
    %reduce_min3A_79 = arith.constant dense<2147483647> : vector<256xi32>
    %reduce_min3A_80 = vector.multi_reduction <minsi>, %select_n3A_78, %reduce_min3A_79 [1] : vector<256x8192xi32> to vector<256xi32>
    %broadcast_in_dim3A_81 = vector.shape_cast %reduce_min3A_80 : vector<256xi32> to vector<256x1xi32>
    %eq3A_82 = vector.broadcast %broadcast_in_dim3A_81 : vector<256x1xi32> to vector<256x8192xi32>
    %eq3A_83 = arith.cmpi eq, %iota3A, %eq3A_82 : vector<256x8192xi32>
    %jit3A_84 = arith.constant 0xFF800000 : f32
    %broadcast_in_dim3A_85 = vector.broadcast %jit3A_84 : f32 to vector<256x8192xf32>
    %select_n3A_86 = arith.select %eq3A_83, %broadcast_in_dim3A_85, %select_n3A_70 : vector<256x8192xi1>, vector<256x8192xf32>
    %reduce_max3A_87 = arith.constant dense<0xFF800000> : vector<256xf32>
    %reduce_max3A_88 = vector.multi_reduction <maximumf>, %select_n3A_86, %reduce_max3A_87 [1] : vector<256x8192xf32> to vector<256xf32>
    %broadcast_in_dim3A_89 = vector.shape_cast %reduce_max3A_88 : vector<256xf32> to vector<256x1xf32>
    %eq3A_90 = vector.broadcast %broadcast_in_dim3A_89 : vector<256x1xf32> to vector<256x8192xf32>
    %eq3A_91 = arith.cmpf oeq, %select_n3A_86, %eq3A_90 : vector<256x8192xf32>
    %jit3A_92 = arith.constant 1073741824 : i32
    %broadcast_in_dim3A_93 = vector.broadcast %jit3A_92 : i32 to vector<256x8192xi32>
    %select_n3A_94 = arith.select %eq3A_91, %iota3A, %broadcast_in_dim3A_93 : vector<256x8192xi1>, vector<256x8192xi32>
    %reduce_min3A_95 = arith.constant dense<2147483647> : vector<256xi32>
    %reduce_min3A_96 = vector.multi_reduction <minsi>, %select_n3A_94, %reduce_min3A_95 [1] : vector<256x8192xi32> to vector<256xi32>
    %broadcast_in_dim3A_97 = vector.shape_cast %reduce_min3A_96 : vector<256xi32> to vector<256x1xi32>
    %eq3A_98 = vector.broadcast %broadcast_in_dim3A_97 : vector<256x1xi32> to vector<256x8192xi32>
    %eq3A_99 = arith.cmpi eq, %iota3A, %eq3A_98 : vector<256x8192xi32>
    %jit3A_100 = arith.constant 0xFF800000 : f32
    %broadcast_in_dim3A_101 = vector.broadcast %jit3A_100 : f32 to vector<256x8192xf32>
    %select_n3A_102 = arith.select %eq3A_99, %broadcast_in_dim3A_101, %select_n3A_86 : vector<256x8192xi1>, vector<256x8192xf32>
    %reduce_max3A_103 = arith.constant dense<0xFF800000> : vector<256xf32>
    %reduce_max3A_104 = vector.multi_reduction <maximumf>, %select_n3A_102, %reduce_max3A_103 [1] : vector<256x8192xf32> to vector<256xf32>
    %broadcast_in_dim3A_105 = vector.shape_cast %reduce_max3A_104 : vector<256xf32> to vector<256x1xf32>
    %eq3A_106 = vector.broadcast %broadcast_in_dim3A_105 : vector<256x1xf32> to vector<256x8192xf32>
    %eq3A_107 = arith.cmpf oeq, %select_n3A_102, %eq3A_106 : vector<256x8192xf32>
    %jit3A_108 = arith.constant 1073741824 : i32
    %broadcast_in_dim3A_109 = vector.broadcast %jit3A_108 : i32 to vector<256x8192xi32>
    %select_n3A_110 = arith.select %eq3A_107, %iota3A, %broadcast_in_dim3A_109 : vector<256x8192xi1>, vector<256x8192xi32>
    %reduce_min3A_111 = arith.constant dense<2147483647> : vector<256xi32>
    %reduce_min3A_112 = vector.multi_reduction <minsi>, %select_n3A_110, %reduce_min3A_111 [1] : vector<256x8192xi32> to vector<256xi32>
    %broadcast_in_dim3A_113 = vector.shape_cast %reduce_min3A_112 : vector<256xi32> to vector<256x1xi32>
    %eq3A_114 = vector.broadcast %broadcast_in_dim3A_113 : vector<256x1xi32> to vector<256x8192xi32>
    %eq3A_115 = arith.cmpi eq, %iota3A, %eq3A_114 : vector<256x8192xi32>
    %jit3A_116 = arith.constant 0xFF800000 : f32
    %broadcast_in_dim3A_117 = vector.broadcast %jit3A_116 : f32 to vector<256x8192xf32>
    %select_n3A_118 = arith.select %eq3A_115, %broadcast_in_dim3A_117, %select_n3A_102 : vector<256x8192xi1>, vector<256x8192xf32>
    %reduce_max3A_119 = arith.constant dense<0xFF800000> : vector<256xf32>
    %reduce_max3A_120 = vector.multi_reduction <maximumf>, %select_n3A_118, %reduce_max3A_119 [1] : vector<256x8192xf32> to vector<256xf32>
    %broadcast_in_dim3A_121 = vector.shape_cast %reduce_max3A_120 : vector<256xf32> to vector<256x1xf32>
    %eq3A_122 = vector.broadcast %broadcast_in_dim3A_121 : vector<256x1xf32> to vector<256x8192xf32>
    %eq3A_123 = arith.cmpf oeq, %select_n3A_118, %eq3A_122 : vector<256x8192xf32>
    %jit3A_124 = arith.constant 1073741824 : i32
    %broadcast_in_dim3A_125 = vector.broadcast %jit3A_124 : i32 to vector<256x8192xi32>
    %select_n3A_126 = arith.select %eq3A_123, %iota3A, %broadcast_in_dim3A_125 : vector<256x8192xi1>, vector<256x8192xi32>
    %reduce_min3A_127 = arith.constant dense<2147483647> : vector<256xi32>
    %reduce_min3A_128 = vector.multi_reduction <minsi>, %select_n3A_126, %reduce_min3A_127 [1] : vector<256x8192xi32> to vector<256xi32>
    %broadcast_in_dim3A_129 = vector.shape_cast %reduce_min3A_128 : vector<256xi32> to vector<256x1xi32>
    %eq3A_130 = vector.broadcast %broadcast_in_dim3A_129 : vector<256x1xi32> to vector<256x8192xi32>
    %eq3A_131 = arith.cmpi eq, %iota3A, %eq3A_130 : vector<256x8192xi32>
    %jit3A_132 = arith.constant 0xFF800000 : f32
    %broadcast_in_dim3A_133 = vector.broadcast %jit3A_132 : f32 to vector<256x8192xf32>
    %select_n3A_134 = arith.select %eq3A_131, %broadcast_in_dim3A_133, %select_n3A_118 : vector<256x8192xi1>, vector<256x8192xf32>
    %reduce_max3A_135 = arith.constant dense<0xFF800000> : vector<256xf32>
    %reduce_max3A_136 = vector.multi_reduction <maximumf>, %select_n3A_134, %reduce_max3A_135 [1] : vector<256x8192xf32> to vector<256xf32>
    %broadcast_in_dim3A_137 = vector.shape_cast %reduce_max3A_136 : vector<256xf32> to vector<256x1xf32>
    %eq3A_138 = vector.broadcast %broadcast_in_dim3A_137 : vector<256x1xf32> to vector<256x8192xf32>
    %eq3A_139 = arith.cmpf oeq, %select_n3A_134, %eq3A_138 : vector<256x8192xf32>
    %jit3A_140 = arith.constant 1073741824 : i32
    %broadcast_in_dim3A_141 = vector.broadcast %jit3A_140 : i32 to vector<256x8192xi32>
    %select_n3A_142 = arith.select %eq3A_139, %iota3A, %broadcast_in_dim3A_141 : vector<256x8192xi1>, vector<256x8192xi32>
    %reduce_min3A_143 = arith.constant dense<2147483647> : vector<256xi32>
    %reduce_min3A_144 = vector.multi_reduction <minsi>, %select_n3A_142, %reduce_min3A_143 [1] : vector<256x8192xi32> to vector<256xi32>
    %broadcast_in_dim3A_145 = vector.shape_cast %reduce_min3A_144 : vector<256xi32> to vector<256x1xi32>
    %eq3A_146 = vector.broadcast %broadcast_in_dim3A_145 : vector<256x1xi32> to vector<256x8192xi32>
    %eq3A_147 = arith.cmpi eq, %iota3A, %eq3A_146 : vector<256x8192xi32>
    %jit3A_148 = arith.constant 0xFF800000 : f32
    %broadcast_in_dim3A_149 = vector.broadcast %jit3A_148 : f32 to vector<256x8192xf32>
    %select_n3A_150 = arith.select %eq3A_147, %broadcast_in_dim3A_149, %select_n3A_134 : vector<256x8192xi1>, vector<256x8192xf32>
    %reduce_max3A_151 = arith.constant dense<0xFF800000> : vector<256xf32>
    %reduce_max3A_152 = vector.multi_reduction <maximumf>, %select_n3A_150, %reduce_max3A_151 [1] : vector<256x8192xf32> to vector<256xf32>
    %broadcast_in_dim3A_153 = vector.shape_cast %reduce_max3A_152 : vector<256xf32> to vector<256x1xf32>
    %eq3A_154 = vector.broadcast %broadcast_in_dim3A_153 : vector<256x1xf32> to vector<256x8192xf32>
    %eq3A_155 = arith.cmpf oeq, %select_n3A_150, %eq3A_154 : vector<256x8192xf32>
    %jit3A_156 = arith.constant 1073741824 : i32
    %broadcast_in_dim3A_157 = vector.broadcast %jit3A_156 : i32 to vector<256x8192xi32>
    %select_n3A_158 = arith.select %eq3A_155, %iota3A, %broadcast_in_dim3A_157 : vector<256x8192xi1>, vector<256x8192xi32>
    %reduce_min3A_159 = arith.constant dense<2147483647> : vector<256xi32>
    %reduce_min3A_160 = vector.multi_reduction <minsi>, %select_n3A_158, %reduce_min3A_159 [1] : vector<256x8192xi32> to vector<256xi32>
    %broadcast_in_dim3A_161 = vector.shape_cast %reduce_min3A_160 : vector<256xi32> to vector<256x1xi32>
    %eq3A_162 = vector.broadcast %broadcast_in_dim3A_161 : vector<256x1xi32> to vector<256x8192xi32>
    %eq3A_163 = arith.cmpi eq, %iota3A, %eq3A_162 : vector<256x8192xi32>
    %jit3A_164 = arith.constant 0xFF800000 : f32
    %broadcast_in_dim3A_165 = vector.broadcast %jit3A_164 : f32 to vector<256x8192xf32>
    %select_n3A_166 = arith.select %eq3A_163, %broadcast_in_dim3A_165, %select_n3A_150 : vector<256x8192xi1>, vector<256x8192xf32>
    %reduce_max3A_167 = arith.constant dense<0xFF800000> : vector<256xf32>
    %reduce_max3A_168 = vector.multi_reduction <maximumf>, %select_n3A_166, %reduce_max3A_167 [1] : vector<256x8192xf32> to vector<256xf32>
    %broadcast_in_dim3A_169 = vector.shape_cast %reduce_max3A_168 : vector<256xf32> to vector<256x1xf32>
    %eq3A_170 = vector.broadcast %broadcast_in_dim3A_169 : vector<256x1xf32> to vector<256x8192xf32>
    %eq3A_171 = arith.cmpf oeq, %select_n3A_166, %eq3A_170 : vector<256x8192xf32>
    %jit3A_172 = arith.constant 1073741824 : i32
    %broadcast_in_dim3A_173 = vector.broadcast %jit3A_172 : i32 to vector<256x8192xi32>
    %select_n3A_174 = arith.select %eq3A_171, %iota3A, %broadcast_in_dim3A_173 : vector<256x8192xi1>, vector<256x8192xi32>
    %reduce_min3A_175 = arith.constant dense<2147483647> : vector<256xi32>
    %reduce_min3A_176 = vector.multi_reduction <minsi>, %select_n3A_174, %reduce_min3A_175 [1] : vector<256x8192xi32> to vector<256xi32>
    %broadcast_in_dim3A_177 = vector.shape_cast %reduce_min3A_176 : vector<256xi32> to vector<256x1xi32>
    %eq3A_178 = vector.broadcast %broadcast_in_dim3A_177 : vector<256x1xi32> to vector<256x8192xi32>
    %eq3A_179 = arith.cmpi eq, %iota3A, %eq3A_178 : vector<256x8192xi32>
    %jit3A_180 = arith.constant 0xFF800000 : f32
    %broadcast_in_dim3A_181 = vector.broadcast %jit3A_180 : f32 to vector<256x8192xf32>
    %select_n3A_182 = arith.select %eq3A_179, %broadcast_in_dim3A_181, %select_n3A_166 : vector<256x8192xi1>, vector<256x8192xf32>
    %reduce_max3A_183 = arith.constant dense<0xFF800000> : vector<256xf32>
    %reduce_max3A_184 = vector.multi_reduction <maximumf>, %select_n3A_182, %reduce_max3A_183 [1] : vector<256x8192xf32> to vector<256xf32>
    %broadcast_in_dim3A_185 = vector.shape_cast %reduce_max3A_184 : vector<256xf32> to vector<256x1xf32>
    %eq3A_186 = vector.broadcast %broadcast_in_dim3A_185 : vector<256x1xf32> to vector<256x8192xf32>
    %eq3A_187 = arith.cmpf oeq, %select_n3A_182, %eq3A_186 : vector<256x8192xf32>
    %jit3A_188 = arith.constant 1073741824 : i32
    %broadcast_in_dim3A_189 = vector.broadcast %jit3A_188 : i32 to vector<256x8192xi32>
    %select_n3A_190 = arith.select %eq3A_187, %iota3A, %broadcast_in_dim3A_189 : vector<256x8192xi1>, vector<256x8192xi32>
    %reduce_min3A_191 = arith.constant dense<2147483647> : vector<256xi32>
    %reduce_min3A_192 = vector.multi_reduction <minsi>, %select_n3A_190, %reduce_min3A_191 [1] : vector<256x8192xi32> to vector<256xi32>
    %broadcast_in_dim3A_193 = vector.shape_cast %reduce_min3A_192 : vector<256xi32> to vector<256x1xi32>
    %eq3A_194 = vector.broadcast %broadcast_in_dim3A_193 : vector<256x1xi32> to vector<256x8192xi32>
    %eq3A_195 = arith.cmpi eq, %iota3A, %eq3A_194 : vector<256x8192xi32>
    %jit3A_196 = arith.constant 0xFF800000 : f32
    %broadcast_in_dim3A_197 = vector.broadcast %jit3A_196 : f32 to vector<256x8192xf32>
    %select_n3A_198 = arith.select %eq3A_195, %broadcast_in_dim3A_197, %select_n3A_182 : vector<256x8192xi1>, vector<256x8192xf32>
    %reduce_max3A_199 = arith.constant dense<0xFF800000> : vector<256xf32>
    %reduce_max3A_200 = vector.multi_reduction <maximumf>, %select_n3A_198, %reduce_max3A_199 [1] : vector<256x8192xf32> to vector<256xf32>
    %broadcast_in_dim3A_201 = vector.shape_cast %reduce_max3A_200 : vector<256xf32> to vector<256x1xf32>
    %eq3A_202 = vector.broadcast %broadcast_in_dim3A_201 : vector<256x1xf32> to vector<256x8192xf32>
    %eq3A_203 = arith.cmpf oeq, %select_n3A_198, %eq3A_202 : vector<256x8192xf32>
    %jit3A_204 = arith.constant 1073741824 : i32
    %broadcast_in_dim3A_205 = vector.broadcast %jit3A_204 : i32 to vector<256x8192xi32>
    %select_n3A_206 = arith.select %eq3A_203, %iota3A, %broadcast_in_dim3A_205 : vector<256x8192xi1>, vector<256x8192xi32>
    %reduce_min3A_207 = arith.constant dense<2147483647> : vector<256xi32>
    %reduce_min3A_208 = vector.multi_reduction <minsi>, %select_n3A_206, %reduce_min3A_207 [1] : vector<256x8192xi32> to vector<256xi32>
    %broadcast_in_dim3A_209 = vector.shape_cast %reduce_min3A_208 : vector<256xi32> to vector<256x1xi32>
    %eq3A_210 = vector.broadcast %broadcast_in_dim3A_209 : vector<256x1xi32> to vector<256x8192xi32>
    %eq3A_211 = arith.cmpi eq, %iota3A, %eq3A_210 : vector<256x8192xi32>
    %jit3A_212 = arith.constant 0xFF800000 : f32
    %broadcast_in_dim3A_213 = vector.broadcast %jit3A_212 : f32 to vector<256x8192xf32>
    %select_n3A_214 = arith.select %eq3A_211, %broadcast_in_dim3A_213, %select_n3A_198 : vector<256x8192xi1>, vector<256x8192xf32>
    %reduce_max3A_215 = arith.constant dense<0xFF800000> : vector<256xf32>
    %reduce_max3A_216 = vector.multi_reduction <maximumf>, %select_n3A_214, %reduce_max3A_215 [1] : vector<256x8192xf32> to vector<256xf32>
    %broadcast_in_dim3A_217 = vector.shape_cast %reduce_max3A_216 : vector<256xf32> to vector<256x1xf32>
    %eq3A_218 = vector.broadcast %broadcast_in_dim3A_217 : vector<256x1xf32> to vector<256x8192xf32>
    %eq3A_219 = arith.cmpf oeq, %select_n3A_214, %eq3A_218 : vector<256x8192xf32>
    %jit3A_220 = arith.constant 1073741824 : i32
    %broadcast_in_dim3A_221 = vector.broadcast %jit3A_220 : i32 to vector<256x8192xi32>
    %select_n3A_222 = arith.select %eq3A_219, %iota3A, %broadcast_in_dim3A_221 : vector<256x8192xi1>, vector<256x8192xi32>
    %reduce_min3A_223 = arith.constant dense<2147483647> : vector<256xi32>
    %reduce_min3A_224 = vector.multi_reduction <minsi>, %select_n3A_222, %reduce_min3A_223 [1] : vector<256x8192xi32> to vector<256xi32>
    %broadcast_in_dim3A_225 = vector.shape_cast %reduce_min3A_224 : vector<256xi32> to vector<256x1xi32>
    %eq3A_226 = vector.broadcast %broadcast_in_dim3A_225 : vector<256x1xi32> to vector<256x8192xi32>
    %eq3A_227 = arith.cmpi eq, %iota3A, %eq3A_226 : vector<256x8192xi32>
    %jit3A_228 = arith.constant 0xFF800000 : f32
    %broadcast_in_dim3A_229 = vector.broadcast %jit3A_228 : f32 to vector<256x8192xf32>
    %select_n3A_230 = arith.select %eq3A_227, %broadcast_in_dim3A_229, %select_n3A_214 : vector<256x8192xi1>, vector<256x8192xf32>
    %reduce_max3A_231 = arith.constant dense<0xFF800000> : vector<256xf32>
    %reduce_max3A_232 = vector.multi_reduction <maximumf>, %select_n3A_230, %reduce_max3A_231 [1] : vector<256x8192xf32> to vector<256xf32>
    %broadcast_in_dim3A_233 = vector.shape_cast %reduce_max3A_232 : vector<256xf32> to vector<256x1xf32>
    %eq3A_234 = vector.broadcast %broadcast_in_dim3A_233 : vector<256x1xf32> to vector<256x8192xf32>
    %eq3A_235 = arith.cmpf oeq, %select_n3A_230, %eq3A_234 : vector<256x8192xf32>
    %jit3A_236 = arith.constant 1073741824 : i32
    %broadcast_in_dim3A_237 = vector.broadcast %jit3A_236 : i32 to vector<256x8192xi32>
    %select_n3A_238 = arith.select %eq3A_235, %iota3A, %broadcast_in_dim3A_237 : vector<256x8192xi1>, vector<256x8192xi32>
    %reduce_min3A_239 = arith.constant dense<2147483647> : vector<256xi32>
    %reduce_min3A_240 = vector.multi_reduction <minsi>, %select_n3A_238, %reduce_min3A_239 [1] : vector<256x8192xi32> to vector<256xi32>
    %broadcast_in_dim3A_241 = vector.shape_cast %reduce_min3A_240 : vector<256xi32> to vector<256x1xi32>
    %eq3A_242 = vector.broadcast %broadcast_in_dim3A_241 : vector<256x1xi32> to vector<256x8192xi32>
    %eq3A_243 = arith.cmpi eq, %iota3A, %eq3A_242 : vector<256x8192xi32>
    %jit3A_244 = arith.constant 0xFF800000 : f32
    %broadcast_in_dim3A_245 = vector.broadcast %jit3A_244 : f32 to vector<256x8192xf32>
    %select_n3A_246 = arith.select %eq3A_243, %broadcast_in_dim3A_245, %select_n3A_230 : vector<256x8192xi1>, vector<256x8192xf32>
    %reduce_max3A_247 = arith.constant dense<0xFF800000> : vector<256xf32>
    %reduce_max3A_248 = vector.multi_reduction <maximumf>, %select_n3A_246, %reduce_max3A_247 [1] : vector<256x8192xf32> to vector<256xf32>
    %broadcast_in_dim3A_249 = vector.shape_cast %reduce_max3A_248 : vector<256xf32> to vector<256x1xf32>
    %eq3A_250 = vector.broadcast %broadcast_in_dim3A_249 : vector<256x1xf32> to vector<256x8192xf32>
    %eq3A_251 = arith.cmpf oeq, %select_n3A_246, %eq3A_250 : vector<256x8192xf32>
    %jit3A_252 = arith.constant 1073741824 : i32
    %broadcast_in_dim3A_253 = vector.broadcast %jit3A_252 : i32 to vector<256x8192xi32>
    %select_n3A_254 = arith.select %eq3A_251, %iota3A, %broadcast_in_dim3A_253 : vector<256x8192xi1>, vector<256x8192xi32>
    %reduce_min3A_255 = arith.constant dense<2147483647> : vector<256xi32>
    %reduce_min3A_256 = vector.multi_reduction <minsi>, %select_n3A_254, %reduce_min3A_255 [1] : vector<256x8192xi32> to vector<256xi32>
    %broadcast_in_dim3A_257 = vector.shape_cast %reduce_min3A_256 : vector<256xi32> to vector<256x1xi32>
    %concatenate3A = tpu.concatenate %broadcast_in_dim3A_13, %broadcast_in_dim3A_25, %broadcast_in_dim3A_41, %broadcast_in_dim3A_57, %broadcast_in_dim3A_73, %broadcast_in_dim3A_89, %broadcast_in_dim3A_105, %broadcast_in_dim3A_121, %broadcast_in_dim3A_137, %broadcast_in_dim3A_153, %broadcast_in_dim3A_169, %broadcast_in_dim3A_185, %broadcast_in_dim3A_201, %broadcast_in_dim3A_217, %broadcast_in_dim3A_233, %broadcast_in_dim3A_249 in 1 : vector<256x1xf32>, vector<256x1xf32>, vector<256x1xf32>, vector<256x1xf32>, vector<256x1xf32>, vector<256x1xf32>, vector<256x1xf32>, vector<256x1xf32>, vector<256x1xf32>, vector<256x1xf32>, vector<256x1xf32>, vector<256x1xf32>, vector<256x1xf32>, vector<256x1xf32>, vector<256x1xf32>, vector<256x1xf32> -> vector<256x16xf32>
    %swap3A = arith.constant 0 : index
    %swap3A_258 = arith.constant 0 : index
    %swap3A_259 = vector.load %arg3[%swap3A, %swap3A_258] : memref<256x16xf32, #tpu.memory_space<vmem>>, vector<256x16xf32>
    tpu.vector_store %arg3[%swap3A, %swap3A_258], %concatenate3A {strides = array<i32>} : memref<256x16xf32, #tpu.memory_space<vmem>>, vector<256x16xf32>,
    %concatenate3A_260 = tpu.concatenate %broadcast_in_dim3A_17, %broadcast_in_dim3A_33, %broadcast_in_dim3A_49, %broadcast_in_dim3A_65, %broadcast_in_dim3A_81, %broadcast_in_dim3A_97, %broadcast_in_dim3A_113, %broadcast_in_dim3A_129, %broadcast_in_dim3A_145, %broadcast_in_dim3A_161, %broadcast_in_dim3A_177, %broadcast_in_dim3A_193, %broadcast_in_dim3A_209, %broadcast_in_dim3A_225, %broadcast_in_dim3A_241, %broadcast_in_dim3A_257 in 1 : vector<256x1xi32>, vector<256x1xi32>, vector<256x1xi32>, vector<256x1xi32>, vector<256x1xi32>, vector<256x1xi32>, vector<256x1xi32>, vector<256x1xi32>, vector<256x1xi32>, vector<256x1xi32>, vector<256x1xi32>, vector<256x1xi32>, vector<256x1xi32>, vector<256x1xi32>, vector<256x1xi32>, vector<256x1xi32> -> vector<256x16xi32>
    %swap3A_261 = arith.constant 0 : index
    %swap3A_262 = arith.constant 0 : index
    %swap3A_263 = vector.load %arg4[%swap3A_261, %swap3A_262] : memref<256x16xi32, #tpu.memory_space<vmem>>, vector<256x16xi32>
    tpu.vector_store %arg4[%swap3A_261, %swap3A_262], %concatenate3A_260 {strides = array<i32>} : memref<256x16xi32, #tpu.memory_space<vmem>>, vector<256x16xi32>,
    return
  }
  func.func @transform_0(%arg0: i32) -> (i32, i32, i32) {
    %c0_i32 = arith.constant 0 : i32
    %c0_i32_0 = arith.constant 0 : i32
    %c0_i32_1 = arith.constant 0 : i32
    return %arg0, %c0_i32, %c0_i32_0 : i32, i32, i32
  }
  func.func @transform_1(%arg0: i32) -> (i32, i32) {
    %c0_i32 = arith.constant 0 : i32
    %c0_i32_0 = arith.constant 0 : i32
    %c0_i32_1 = arith.constant 0 : i32
    return %c0_i32, %c0_i32_0 : i32, i32
  }
  func.func @transform_2(%arg0: i32) -> (i32, i32) {
    %c0_i32 = arith.constant 0 : i32
    %c0_i32_0 = arith.constant 0 : i32
    return %arg0, %c0_i32 : i32, i32
  }
  func.func @transform_3(%arg0: i32) -> (i32, i32) {
    %c0_i32 = arith.constant 0 : i32
    %c0_i32_0 = arith.constant 0 : i32
    return %arg0, %c0_i32 : i32, i32
  }
}

module attributes {stable_mosaic.version = 14 : i64} {
  func.func @_ksim_body(%arg0: i32, %arg1: i32, %arg2: memref<256x64xf32, #tpu.memory_space<vmem>>, %arg3: memref<256x64xf32, #tpu.memory_space<vmem>>, %arg4: memref<1x1xf32, #tpu.memory_space<vmem>>) attributes {dimension_semantics = [#tpu.dimension_semantics<arbitrary>, #tpu.dimension_semantics<arbitrary>], iteration_bounds = array<i64: 32, 32>, scalar_prefetch = 0 : i64, scratch_operands = 0 : i64, tpu.core_type = #tpu.core_type<tc>, window_params = [{transform_indices = @transform_0, window_bounds = array<i64: 256, 64>}, {transform_indices = @transform_1, window_bounds = array<i64: 256, 64>}, {pipeline_mode = #tpu.pipeline_mode<synchronous>, transform_indices = @transform_2, window_bounds = array<i64: 1, 1>}]} {
    %get3A = arith.constant 0 : index
    %get3A_0 = arith.constant 0 : index
    %get3A_1 = vector.load %arg2[%get3A, %get3A_0] : memref<256x64xf32, #tpu.memory_space<vmem>>, vector<256x64xf32>
    %get3A_2 = arith.constant 0 : index
    %get3A_3 = arith.constant 0 : index
    %get3A_4 = vector.load %arg3[%get3A_2, %get3A_3] : memref<256x64xf32, #tpu.memory_space<vmem>>, vector<256x64xf32>
    %dot_general3A = arith.constant dense<0.000000e+00> : vector<256x256xf32>
    %dot_general3A_5 = tpu.matmul %get3A_1, %get3A_4, %dot_general3A {dimension_numbers = #tpu.dot_dimension_numbers<[1], [1], [0], [0], [0, 0, 1, 0], [], []>, transpose_lhs_hint = false} : vector<256x64xf32>, vector<256x64xf32>, vector<256x256xf32> -> vector<256x256xf32>
    %mul3A = arith.constant 256 : i32
    %mul3A_6 = arith.muli %arg0, %mul3A : i32
    %iota3A = tpu.iota {dimensions = array<i32: 0>} : vector<256x256xi32>
    %add3A = vector.broadcast %mul3A_6 : i32 to vector<256x256xi32>
    %add3A_7 = arith.addi %add3A, %iota3A : vector<256x256xi32>
    %mul3A_8 = arith.constant 256 : i32
    %mul3A_9 = arith.muli %arg1, %mul3A_8 : i32
    %iota3A_10 = tpu.iota {dimensions = array<i32: 1>} : vector<256x256xi32>
    %add3A_11 = vector.broadcast %mul3A_9 : i32 to vector<256x256xi32>
    %add3A_12 = arith.addi %add3A_11, %iota3A_10 : vector<256x256xi32>
    %eq3A = arith.cmpi eq, %add3A_7, %add3A_12 : vector<256x256xi32>
    %sub3A = arith.constant 1.000000e+00 : f32
    %sub3A_13 = vector.broadcast %sub3A : f32 to vector<256x256xf32>
    %sub3A_14 = arith.subf %dot_general3A_5, %sub3A_13 : vector<256x256xf32>
    %select_n3A = arith.select %eq3A, %sub3A_14, %dot_general3A_5 : vector<256x256xi1>, vector<256x256xf32>
    %abs3A = math.absf %select_n3A : vector<256x256xf32>
    %reduce_sum3A = vector.shape_cast %abs3A : vector<256x256xf32> to vector<1x256x256xf32>
    %reduce_sum3A_15 = arith.constant dense<0.000000e+00> : vector<1xf32>
    %reduce_sum3A_16 = vector.multi_reduction <add>, %reduce_sum3A, %reduce_sum3A_15 [1, 2] : vector<1x256x256xf32> to vector<1xf32>
    %reduce_sum3A_17 = vector.shape_cast %reduce_sum3A_16 : vector<1xf32> to vector<1x1x1xf32>
    %reduce_sum3A_18 = vector.extract %reduce_sum3A_17[0, 0, 0] : f32 from vector<1x1x1xf32>
    %reshape3A = vector.broadcast %reduce_sum3A_18 : f32 to vector<1x1xf32>
    %eq3A_19 = arith.constant 0 : i32
    %eq3A_20 = arith.cmpi eq, %arg0, %eq3A_19 : i32
    %eq3A_21 = arith.constant 0 : i32
    %eq3A_22 = arith.cmpi eq, %arg1, %eq3A_21 : i32
    %and3A = arith.andi %eq3A_20, %eq3A_22 : i1
    %convert_element_type3A = arith.extui %and3A : i1 to i32
    %cond3A = arith.constant 0 : i32
    %cond3A_23 = arith.cmpi ne, %convert_element_type3A, %cond3A : i32
    scf.if %cond3A_23 {
      %broadcast_in_dim3A = arith.constant 0.000000e+00 : f32
      %broadcast_in_dim3A_30 = vector.broadcast %broadcast_in_dim3A : f32 to vector<1x1xf32>
      %swap3A_31 = arith.constant 0 : index
      %swap3A_32 = arith.constant 0 : index
      %swap3A_33 = vector.load %arg4[%swap3A_31, %swap3A_32] : memref<1x1xf32, #tpu.memory_space<vmem>>, vector<1x1xf32>
      tpu.vector_store %arg4[%swap3A_31, %swap3A_32], %broadcast_in_dim3A_30 {strides = array<i32>} : memref<1x1xf32, #tpu.memory_space<vmem>>, vector<1x1xf32>,
    } else {
    }
    %get3A_24 = arith.constant 0 : index
    %get3A_25 = arith.constant 0 : index
    %get3A_26 = vector.load %arg4[%get3A_24, %get3A_25] : memref<1x1xf32, #tpu.memory_space<vmem>>, vector<1x1xf32>
    %add3A_27 = arith.addf %get3A_26, %reshape3A : vector<1x1xf32>
    %swap3A = arith.constant 0 : index
    %swap3A_28 = arith.constant 0 : index
    %swap3A_29 = vector.load %arg4[%swap3A, %swap3A_28] : memref<1x1xf32, #tpu.memory_space<vmem>>, vector<1x1xf32>
    tpu.vector_store %arg4[%swap3A, %swap3A_28], %add3A_27 {strides = array<i32>} : memref<1x1xf32, #tpu.memory_space<vmem>>, vector<1x1xf32>,
    return
  }
  func.func @transform_0(%arg0: i32, %arg1: i32) -> (i32, i32) {
    %c0_i32 = arith.constant 0 : i32
    %c0_i32_0 = arith.constant 0 : i32
    return %arg0, %c0_i32 : i32, i32
  }
  func.func @transform_1(%arg0: i32, %arg1: i32) -> (i32, i32) {
    %c0_i32 = arith.constant 0 : i32
    %c0_i32_0 = arith.constant 0 : i32
    return %arg1, %c0_i32 : i32, i32
  }
  func.func @transform_2(%arg0: i32, %arg1: i32) -> (i32, i32) {
    %c0_i32 = arith.constant 0 : i32
    %c0_i32_0 = arith.constant 0 : i32
    %c0_i32_1 = arith.constant 0 : i32
    return %c0_i32, %c0_i32_0 : i32, i32
  }
}

module attributes {stable_mosaic.version = 14 : i64} {
  func.func @_diff_body(%arg0: i32, %arg1: memref<256x1024xf32, #tpu.memory_space<vmem>>, %arg2: memref<256x16xf32, #tpu.memory_space<vmem>>, %arg3: memref<256x1x64xf32, #tpu.memory_space<vmem>>, %arg4: memref<1x1xf32, #tpu.memory_space<vmem>>) attributes {dimension_semantics = [#tpu.dimension_semantics<arbitrary>], iteration_bounds = array<i64: 64>, scalar_prefetch = 0 : i64, scratch_operands = 0 : i64, tpu.core_type = #tpu.core_type<tc>, window_params = [{transform_indices = @transform_0, window_bounds = array<i64: 256, 1024>}, {transform_indices = @transform_1, window_bounds = array<i64: 256, 16>}, {transform_indices = @transform_2, window_bounds = array<i64: 256, 1, 64>}, {pipeline_mode = #tpu.pipeline_mode<synchronous>, transform_indices = @transform_3, window_bounds = array<i64: 1, 1>}]} {
    %get3A = arith.constant 0 : index
    %get3A_0 = arith.constant 0 : index
    %get3A_1 = arith.constant 0 : index
    %get3A_2 = vector.load %arg3[%get3A, %get3A_0, %get3A_1] : memref<256x1x64xf32, #tpu.memory_space<vmem>>, vector<256x1x64xf32>
    %get3A_3 = vector.shape_cast %get3A_2 : vector<256x1x64xf32> to vector<256x64xf32>
    %mul3A = arith.mulf %get3A_3, %get3A_3 : vector<256x64xf32>
    %reduce_sum3A = arith.constant dense<0.000000e+00> : vector<256xf32>
    %reduce_sum3A_4 = vector.multi_reduction <add>, %mul3A, %reduce_sum3A [1] : vector<256x64xf32> to vector<256xf32>
    %broadcast_in_dim3A = vector.shape_cast %reduce_sum3A_4 : vector<256xf32> to vector<256x1xf32>
    %sqrt3A = math.sqrt %broadcast_in_dim3A : vector<256x1xf32>
    %max3A = arith.constant 9.99999996E-13 : f32
    %max3A_5 = vector.broadcast %max3A : f32 to vector<256x1xf32>
    %max3A_6 = arith.maximumf %sqrt3A, %max3A_5 : vector<256x1xf32>
    %div3A = vector.broadcast %max3A_6 : vector<256x1xf32> to vector<256x64xf32>
    %div3A_7 = arith.divf %get3A_3, %div3A : vector<256x64xf32>
    %get3A_8 = arith.constant 0 : index
    %get3A_9 = arith.constant 0 : index
    %get3A_10 = vector.load %arg2[%get3A_8, %get3A_9] : memref<256x16xf32, #tpu.memory_space<vmem>>, vector<256x16xf32>
    %broadcast_in_dim3A_11 = arith.constant 0.000000e+00 : f32
    %broadcast_in_dim3A_12 = vector.broadcast %broadcast_in_dim3A_11 : f32 to vector<256x64xf32>
    %slice3A = vector.extract_strided_slice %get3A_10 {offsets = [0, 0], sizes = [256, 1], strides = [1, 1]} : vector<256x16xf32> to vector<256x1xf32>
    %get3A_13 = arith.constant 0 : index
    %get3A_14 = arith.constant 0 : index
    %get3A_15 = vector.load %arg1[%get3A_13, %get3A_14] : memref<256x1024xf32, #tpu.memory_space<vmem>>, vector<256x64xf32>
    %mul3A_16 = vector.broadcast %slice3A : vector<256x1xf32> to vector<256x64xf32>
    %mul3A_17 = arith.mulf %mul3A_16, %get3A_15 : vector<256x64xf32>
    %add3A = arith.addf %broadcast_in_dim3A_12, %mul3A_17 : vector<256x64xf32>
    %slice3A_18 = vector.extract_strided_slice %get3A_10 {offsets = [0, 1], sizes = [256, 1], strides = [1, 1]} : vector<256x16xf32> to vector<256x1xf32>
    %get3A_19 = arith.constant 0 : index
    %get3A_20 = arith.constant 64 : index
    %get3A_21 = vector.load %arg1[%get3A_19, %get3A_20] : memref<256x1024xf32, #tpu.memory_space<vmem>>, vector<256x64xf32>
    %mul3A_22 = vector.broadcast %slice3A_18 : vector<256x1xf32> to vector<256x64xf32>
    %mul3A_23 = arith.mulf %mul3A_22, %get3A_21 : vector<256x64xf32>
    %add3A_24 = arith.addf %add3A, %mul3A_23 : vector<256x64xf32>
    %slice3A_25 = vector.extract_strided_slice %get3A_10 {offsets = [0, 2], sizes = [256, 1], strides = [1, 1]} : vector<256x16xf32> to vector<256x1xf32>
    %get3A_26 = arith.constant 0 : index
    %get3A_27 = arith.constant 128 : index
    %get3A_28 = vector.load %arg1[%get3A_26, %get3A_27] : memref<256x1024xf32, #tpu.memory_space<vmem>>, vector<256x64xf32>
    %mul3A_29 = vector.broadcast %slice3A_25 : vector<256x1xf32> to vector<256x64xf32>
    %mul3A_30 = arith.mulf %mul3A_29, %get3A_28 : vector<256x64xf32>
    %add3A_31 = arith.addf %add3A_24, %mul3A_30 : vector<256x64xf32>
    %slice3A_32 = vector.extract_strided_slice %get3A_10 {offsets = [0, 3], sizes = [256, 1], strides = [1, 1]} : vector<256x16xf32> to vector<256x1xf32>
    %get3A_33 = arith.constant 0 : index
    %get3A_34 = arith.constant 192 : index
    %get3A_35 = vector.load %arg1[%get3A_33, %get3A_34] : memref<256x1024xf32, #tpu.memory_space<vmem>>, vector<256x64xf32>
    %mul3A_36 = vector.broadcast %slice3A_32 : vector<256x1xf32> to vector<256x64xf32>
    %mul3A_37 = arith.mulf %mul3A_36, %get3A_35 : vector<256x64xf32>
    %add3A_38 = arith.addf %add3A_31, %mul3A_37 : vector<256x64xf32>
    %slice3A_39 = vector.extract_strided_slice %get3A_10 {offsets = [0, 4], sizes = [256, 1], strides = [1, 1]} : vector<256x16xf32> to vector<256x1xf32>
    %get3A_40 = arith.constant 0 : index
    %get3A_41 = arith.constant 256 : index
    %get3A_42 = vector.load %arg1[%get3A_40, %get3A_41] : memref<256x1024xf32, #tpu.memory_space<vmem>>, vector<256x64xf32>
    %mul3A_43 = vector.broadcast %slice3A_39 : vector<256x1xf32> to vector<256x64xf32>
    %mul3A_44 = arith.mulf %mul3A_43, %get3A_42 : vector<256x64xf32>
    %add3A_45 = arith.addf %add3A_38, %mul3A_44 : vector<256x64xf32>
    %slice3A_46 = vector.extract_strided_slice %get3A_10 {offsets = [0, 5], sizes = [256, 1], strides = [1, 1]} : vector<256x16xf32> to vector<256x1xf32>
    %get3A_47 = arith.constant 0 : index
    %get3A_48 = arith.constant 320 : index
    %get3A_49 = vector.load %arg1[%get3A_47, %get3A_48] : memref<256x1024xf32, #tpu.memory_space<vmem>>, vector<256x64xf32>
    %mul3A_50 = vector.broadcast %slice3A_46 : vector<256x1xf32> to vector<256x64xf32>
    %mul3A_51 = arith.mulf %mul3A_50, %get3A_49 : vector<256x64xf32>
    %add3A_52 = arith.addf %add3A_45, %mul3A_51 : vector<256x64xf32>
    %slice3A_53 = vector.extract_strided_slice %get3A_10 {offsets = [0, 6], sizes = [256, 1], strides = [1, 1]} : vector<256x16xf32> to vector<256x1xf32>
    %get3A_54 = arith.constant 0 : index
    %get3A_55 = arith.constant 384 : index
    %get3A_56 = vector.load %arg1[%get3A_54, %get3A_55] : memref<256x1024xf32, #tpu.memory_space<vmem>>, vector<256x64xf32>
    %mul3A_57 = vector.broadcast %slice3A_53 : vector<256x1xf32> to vector<256x64xf32>
    %mul3A_58 = arith.mulf %mul3A_57, %get3A_56 : vector<256x64xf32>
    %add3A_59 = arith.addf %add3A_52, %mul3A_58 : vector<256x64xf32>
    %slice3A_60 = vector.extract_strided_slice %get3A_10 {offsets = [0, 7], sizes = [256, 1], strides = [1, 1]} : vector<256x16xf32> to vector<256x1xf32>
    %get3A_61 = arith.constant 0 : index
    %get3A_62 = arith.constant 448 : index
    %get3A_63 = vector.load %arg1[%get3A_61, %get3A_62] : memref<256x1024xf32, #tpu.memory_space<vmem>>, vector<256x64xf32>
    %mul3A_64 = vector.broadcast %slice3A_60 : vector<256x1xf32> to vector<256x64xf32>
    %mul3A_65 = arith.mulf %mul3A_64, %get3A_63 : vector<256x64xf32>
    %add3A_66 = arith.addf %add3A_59, %mul3A_65 : vector<256x64xf32>
    %slice3A_67 = vector.extract_strided_slice %get3A_10 {offsets = [0, 8], sizes = [256, 1], strides = [1, 1]} : vector<256x16xf32> to vector<256x1xf32>
    %get3A_68 = arith.constant 0 : index
    %get3A_69 = arith.constant 512 : index
    %get3A_70 = vector.load %arg1[%get3A_68, %get3A_69] : memref<256x1024xf32, #tpu.memory_space<vmem>>, vector<256x64xf32>
    %mul3A_71 = vector.broadcast %slice3A_67 : vector<256x1xf32> to vector<256x64xf32>
    %mul3A_72 = arith.mulf %mul3A_71, %get3A_70 : vector<256x64xf32>
    %add3A_73 = arith.addf %add3A_66, %mul3A_72 : vector<256x64xf32>
    %slice3A_74 = vector.extract_strided_slice %get3A_10 {offsets = [0, 9], sizes = [256, 1], strides = [1, 1]} : vector<256x16xf32> to vector<256x1xf32>
    %get3A_75 = arith.constant 0 : index
    %get3A_76 = arith.constant 576 : index
    %get3A_77 = vector.load %arg1[%get3A_75, %get3A_76] : memref<256x1024xf32, #tpu.memory_space<vmem>>, vector<256x64xf32>
    %mul3A_78 = vector.broadcast %slice3A_74 : vector<256x1xf32> to vector<256x64xf32>
    %mul3A_79 = arith.mulf %mul3A_78, %get3A_77 : vector<256x64xf32>
    %add3A_80 = arith.addf %add3A_73, %mul3A_79 : vector<256x64xf32>
    %slice3A_81 = vector.extract_strided_slice %get3A_10 {offsets = [0, 10], sizes = [256, 1], strides = [1, 1]} : vector<256x16xf32> to vector<256x1xf32>
    %get3A_82 = arith.constant 0 : index
    %get3A_83 = arith.constant 640 : index
    %get3A_84 = vector.load %arg1[%get3A_82, %get3A_83] : memref<256x1024xf32, #tpu.memory_space<vmem>>, vector<256x64xf32>
    %mul3A_85 = vector.broadcast %slice3A_81 : vector<256x1xf32> to vector<256x64xf32>
    %mul3A_86 = arith.mulf %mul3A_85, %get3A_84 : vector<256x64xf32>
    %add3A_87 = arith.addf %add3A_80, %mul3A_86 : vector<256x64xf32>
    %slice3A_88 = vector.extract_strided_slice %get3A_10 {offsets = [0, 11], sizes = [256, 1], strides = [1, 1]} : vector<256x16xf32> to vector<256x1xf32>
    %get3A_89 = arith.constant 0 : index
    %get3A_90 = arith.constant 704 : index
    %get3A_91 = vector.load %arg1[%get3A_89, %get3A_90] : memref<256x1024xf32, #tpu.memory_space<vmem>>, vector<256x64xf32>
    %mul3A_92 = vector.broadcast %slice3A_88 : vector<256x1xf32> to vector<256x64xf32>
    %mul3A_93 = arith.mulf %mul3A_92, %get3A_91 : vector<256x64xf32>
    %add3A_94 = arith.addf %add3A_87, %mul3A_93 : vector<256x64xf32>
    %slice3A_95 = vector.extract_strided_slice %get3A_10 {offsets = [0, 12], sizes = [256, 1], strides = [1, 1]} : vector<256x16xf32> to vector<256x1xf32>
    %get3A_96 = arith.constant 0 : index
    %get3A_97 = arith.constant 768 : index
    %get3A_98 = vector.load %arg1[%get3A_96, %get3A_97] : memref<256x1024xf32, #tpu.memory_space<vmem>>, vector<256x64xf32>
    %mul3A_99 = vector.broadcast %slice3A_95 : vector<256x1xf32> to vector<256x64xf32>
    %mul3A_100 = arith.mulf %mul3A_99, %get3A_98 : vector<256x64xf32>
    %add3A_101 = arith.addf %add3A_94, %mul3A_100 : vector<256x64xf32>
    %slice3A_102 = vector.extract_strided_slice %get3A_10 {offsets = [0, 13], sizes = [256, 1], strides = [1, 1]} : vector<256x16xf32> to vector<256x1xf32>
    %get3A_103 = arith.constant 0 : index
    %get3A_104 = arith.constant 832 : index
    %get3A_105 = vector.load %arg1[%get3A_103, %get3A_104] : memref<256x1024xf32, #tpu.memory_space<vmem>>, vector<256x64xf32>
    %mul3A_106 = vector.broadcast %slice3A_102 : vector<256x1xf32> to vector<256x64xf32>
    %mul3A_107 = arith.mulf %mul3A_106, %get3A_105 : vector<256x64xf32>
    %add3A_108 = arith.addf %add3A_101, %mul3A_107 : vector<256x64xf32>
    %slice3A_109 = vector.extract_strided_slice %get3A_10 {offsets = [0, 14], sizes = [256, 1], strides = [1, 1]} : vector<256x16xf32> to vector<256x1xf32>
    %get3A_110 = arith.constant 0 : index
    %get3A_111 = arith.constant 896 : index
    %get3A_112 = vector.load %arg1[%get3A_110, %get3A_111] : memref<256x1024xf32, #tpu.memory_space<vmem>>, vector<256x64xf32>
    %mul3A_113 = vector.broadcast %slice3A_109 : vector<256x1xf32> to vector<256x64xf32>
    %mul3A_114 = arith.mulf %mul3A_113, %get3A_112 : vector<256x64xf32>
    %add3A_115 = arith.addf %add3A_108, %mul3A_114 : vector<256x64xf32>
    %slice3A_116 = vector.extract_strided_slice %get3A_10 {offsets = [0, 15], sizes = [256, 1], strides = [1, 1]} : vector<256x16xf32> to vector<256x1xf32>
    %get3A_117 = arith.constant 0 : index
    %get3A_118 = arith.constant 960 : index
    %get3A_119 = vector.load %arg1[%get3A_117, %get3A_118] : memref<256x1024xf32, #tpu.memory_space<vmem>>, vector<256x64xf32>
    %mul3A_120 = vector.broadcast %slice3A_116 : vector<256x1xf32> to vector<256x64xf32>
    %mul3A_121 = arith.mulf %mul3A_120, %get3A_119 : vector<256x64xf32>
    %add3A_122 = arith.addf %add3A_115, %mul3A_121 : vector<256x64xf32>
    %sub3A = arith.subf %add3A_122, %div3A_7 : vector<256x64xf32>
    %mul3A_123 = arith.mulf %sub3A, %sub3A : vector<256x64xf32>
    %reduce_sum3A_124 = vector.shape_cast %mul3A_123 : vector<256x64xf32> to vector<1x256x64xf32>
    %reduce_sum3A_125 = arith.constant dense<0.000000e+00> : vector<1xf32>
    %reduce_sum3A_126 = vector.multi_reduction <add>, %reduce_sum3A_124, %reduce_sum3A_125 [1, 2] : vector<1x256x64xf32> to vector<1xf32>
    %reduce_sum3A_127 = vector.shape_cast %reduce_sum3A_126 : vector<1xf32> to vector<1x1x1xf32>
    %reduce_sum3A_128 = vector.extract %reduce_sum3A_127[0, 0, 0] : f32 from vector<1x1x1xf32>
    %reshape3A = vector.broadcast %reduce_sum3A_128 : f32 to vector<1x1xf32>
    %eq3A = arith.constant 0 : i32
    %eq3A_129 = arith.cmpi eq, %arg0, %eq3A : i32
    %convert_element_type3A = arith.extui %eq3A_129 : i1 to i32
    %cond3A = arith.constant 0 : i32
    %cond3A_130 = arith.cmpi ne, %convert_element_type3A, %cond3A : i32
    scf.if %cond3A_130 {
      %broadcast_in_dim3A_137 = arith.constant 0.000000e+00 : f32
      %broadcast_in_dim3A_138 = vector.broadcast %broadcast_in_dim3A_137 : f32 to vector<1x1xf32>
      %swap3A_139 = arith.constant 0 : index
      %swap3A_140 = arith.constant 0 : index
      %swap3A_141 = vector.load %arg4[%swap3A_139, %swap3A_140] : memref<1x1xf32, #tpu.memory_space<vmem>>, vector<1x1xf32>
      tpu.vector_store %arg4[%swap3A_139, %swap3A_140], %broadcast_in_dim3A_138 {strides = array<i32>} : memref<1x1xf32, #tpu.memory_space<vmem>>, vector<1x1xf32>,
    } else {
    }
    %get3A_131 = arith.constant 0 : index
    %get3A_132 = arith.constant 0 : index
    %get3A_133 = vector.load %arg4[%get3A_131, %get3A_132] : memref<1x1xf32, #tpu.memory_space<vmem>>, vector<1x1xf32>
    %add3A_134 = arith.addf %get3A_133, %reshape3A : vector<1x1xf32>
    %swap3A = arith.constant 0 : index
    %swap3A_135 = arith.constant 0 : index
    %swap3A_136 = vector.load %arg4[%swap3A, %swap3A_135] : memref<1x1xf32, #tpu.memory_space<vmem>>, vector<1x1xf32>
    tpu.vector_store %arg4[%swap3A, %swap3A_135], %add3A_134 {strides = array<i32>} : memref<1x1xf32, #tpu.memory_space<vmem>>, vector<1x1xf32>,
    return
  }
  func.func @transform_0(%arg0: i32) -> (i32, i32) {
    %c0_i32 = arith.constant 0 : i32
    %c0_i32_0 = arith.constant 0 : i32
    return %arg0, %c0_i32 : i32, i32
  }
  func.func @transform_1(%arg0: i32) -> (i32, i32) {
    %c0_i32 = arith.constant 0 : i32
    %c0_i32_0 = arith.constant 0 : i32
    return %arg0, %c0_i32 : i32, i32
  }
  func.func @transform_2(%arg0: i32) -> (i32, i32, i32) {
    %c0_i32 = arith.constant 0 : i32
    %c0_i32_0 = arith.constant 0 : i32
    %c0_i32_1 = arith.constant 0 : i32
    return %arg0, %c0_i32, %c0_i32_0 : i32, i32, i32
  }
  func.func @transform_3(%arg0: i32) -> (i32, i32) {
    %c0_i32 = arith.constant 0 : i32
    %c0_i32_0 = arith.constant 0 : i32
    %c0_i32_1 = arith.constant 0 : i32
    return %c0_i32, %c0_i32_0 : i32, i32
  }
}

</mosaic_0001>

<sc_bundles>
// kernel: kernel.7.cloned.1.call-start
scs
__scs_entry_jumppad:
0x0: {  	(pc) =	sbr.rel $0x88, $3  }
0x1: {  	(tag) =	ssettag $0x0;
	lr =	simm.s32 $0x1  }
0x2: {  	[smem:$0x3F9F] =	sst lr;
	_ =	strace $0xD0000000  }
0x3: {  	_ = 	snop  }
0x4: {  	_ = 	snop  }
0x5: {  	_ = 	snop  }
0x6: {  	_ = 	snop  }
0x7: {  	_ = 	snop  }
__scs_overlays_trampoline_lowered:
0x8: {  	[smem:$0x3FAE] =	sst s0  }
0x9: {  	[smem:$0x3FAF] =	sst s1  }
0xa: {  	[smem:$0x3FB0] =	sst s2  }
0xb: {  	[smem:$0x3FB1] =	sst s3  }
0xc: {  	[smem:$0x3FB2] =	sst s4  }
0xd: {  	[smem:$0x3FB3] =	sst s5  }
0xe: {  	[smem:$0x3FB4] =	sst s6  }
0xf: {  	[smem:$0x3FB5] =	sst s7  }
0x10: {  	[smem:$0x3FB6] =	sst s8  }
0x11: {  	[smem:$0x3FB7] =	sst s9;
	s0 =	simm.s32 @!p0 $0x0  }
0x12: {  	s1 =	sld [smem:$0x3F9D];
	s0 =	simm.s32 @p0 $0x1  }
0x13: {  	[smem:$0x3FB8] =	sst s0;
	s0 =	simm.s32 @!p1 $0x0  }
0x14: {  	s2 =	sld [smem:$0x3F9C];
	s0 =	simm.s32 @p1 $0x1  }
0x15: {  	[smem:$0x3FB9] =	sst s0;
	s0 =	simm.s32 @!p2 $0x0  }
0x16: {  	s3 =	sld [smem:$0x3FDB];
	s0 =	simm.s32 @p2 $0x1  }
0x17: {  	s4 =	simm.s32 $0x1BF5;
	[smem:$0x3FBB] =	sst s0  }
0x18: {  	s0 =	sld [smem:$0x3F9E];
	_ =	swait.ge [sflag:s4], $0x0  }
0x19: {  	s7 =	sld [smem:$0x3F9F]  }
0x1a: {  	s8 =	sadd.s32 $0xFFFFE003, lr  }
0x1b: {  	s9 =	sadd.s32 $0xFFFFFEF7, lr;
	s5 =	simm.s32 $0xFFFFFFFF;
	p2 =	slt.u32 s8, $0xFFFFF086  }
0x1c: {  	p1 =	slt.u32 s9, $0xF7A;
	s5 =	simm.s32 @!p2 $0x0  }
0x1d: {  	s5 =	simm.s32 @p1 $0x1;
	p0 =	seq.s32 s7, s2  }
0x1e: {  	s7 =	smul.u32 @!p0 $0xF7A, s2;
	p2 =	seq.s32 @!p0 s5, $0x0  }
0x1f: {  	s9 =	smul.u32 $0xF7A, s1;
	s8 =	simm.s32 @!p0 $0x1BF5;
	p2 =	por !p2, p0  }
0x20: {  	[sflag:s8] =	ssyncset.s32 @!p0 $0xFFFFF086;
	s6 =	sadd.s32 @!p0 s3, s7;
	s7 =	simm.s32 @!p0 $0x108  }
0x21: {  	s3 =	sadd.s32 s3, s9;
	s6 =	sadd.s32 @!p0 $0x88, s6;
	s7 =	simm.s32 @p2 $0x1082  }
0x22: {  	[simem:s7], [sflag:s8] =	dma.local @!p0 [hbm:s6], $0xF7A  }
0x23: {  	s9 =	sor.u32 $0xD0000000, s2;
	s6 =	simm.s32 $0x108;
	_ =	swait.ge @!p0 [sflag:s8], $0x0  }
0x24: {  	s3 =	sadd.s32 $0x88, s3;
	s6 =	simm.s32 @!p1 $0x1082;
	[sflag:s4] =	ssyncset.s32 $0xFFFFF086  }
0x25: {  	[simem:s6], [sflag:s4] =	dma.local [hbm:s3], $0xF7A  }
0x26: {  	[smem:$0x3F9F] =	sst s1;
	(tag) =	ssettag s2;
	_ =	strace s9  }
0x27: {  	s1 =	sld [smem:$0x3FAF]  }
0x28: {  	s2 =	sld [smem:$0x3FB0]  }
0x29: {  	s4 =	sld [smem:$0x3FB2]  }
0x2a: {  	p0 =	seq.s32 s5, $0x0;
	s5 =	sld [smem:$0x3FB3]  }
0x2b: {  	s6 =	sld [smem:$0x3FB4]  }
0x2c: {  	s7 =	sld [smem:$0x3FB5]  }
0x2d: {  	s3 =	simm.s32 $0x108;
	s8 =	sld [smem:$0x3FB6]  }
0x2e: {  	s3 =	simm.s32 @!p0 $0x1082;
	s9 =	sld [smem:$0x3FB7]  }
0x2f: {  	lr =	sadd.s32 s0, s3;
	s0 =	sld [smem:$0x3FAE]  }
0x30: {  	s3 =	sld [smem:$0x3FB1]  }
0x31: {  	[smem:$0x3FBA] =	sst s10  }
0x32: {  	s10 =	sld [smem:$0x3FB8];
	_ =	sdelay $0x3  }
0x33: {  	p0 =	seq.s32 s10, $0x1;
	s10 =	sld [smem:$0x3FBA];
	_ =	sdelay $0x3  }
0x34: {  	[smem:$0x3FBA] =	sst s10  }
0x35: {  	s10 =	sld [smem:$0x3FB9];
	_ =	sdelay $0x3  }
0x36: {  	p1 =	seq.s32 s10, $0x1;
	s10 =	sld [smem:$0x3FBA];
	_ =	sdelay $0x3  }
0x37: {  	[smem:$0x3FBA] =	sst s10  }
0x38: {  	s10 =	sld [smem:$0x3FBB]  }
0x39: {  	_ = 	snop;
	(pc) =	sbr.ind lr, $3  }
0x3a: {  	_ = 	snop  }
0x3b: {  	_ = 	snop  }
0x3c: {  	p2 =	seq.s32 s10, $0x1;
	s10 =	sld [smem:$0x3FBA]  }
0x3d: {  	_ =	shalt  }
0x3e: {  	_ =	shalt  }
0x3f: {  	_ =	shalt  }
0x40: {  	_ =	shalt  }
0x41: {  	_ =	shalt  }
0x42: {  	_ =	shalt  }
0x43: {  	_ =	shalt  }
0x44: {  	_ =	shalt  }
0x45: {  	_ =	shalt  }
0x46: {  	_ =	shalt  }
0x47: {  	_ =	shalt  }
0x48: {  	_ =	shalt  }
0x49: {  	_ =	shalt  }
0x4a: {  	_ =	shalt  }
0x4b: {  	_ =	shalt  }
0x4c: {  	_ =	shalt  }
0x4d: {  	_ =	shalt  }
0x4e: {  	_ =	shalt  }
0x4f: {  	_ =	shalt  }
0x50: {  	_ =	shalt  }
0x51: {  	_ =	shalt  }
0x52: {  	_ =	shalt  }
0x53: {  	_ =	shalt  }
0x54: {  	_ =	shalt  }
0x55: {  	_ =	shalt  }
0x56: {  	_ =	shalt  }
0x57: {  	_ =	shalt  }
0x58: {  	_ =	shalt  }
0x59: {  	_ =	shalt  }
0x5a: {  	_ =	shalt  }
0x5b: {  	_ =	shalt  }
0x5c: {  	_ =	shalt  }
0x5d: {  	_ =	shalt  }
0x5e: {  	_ =	shalt  }
0x5f: {  	_ =	shalt  }
0x60: {  	_ =	shalt  }
0x61: {  	_ =	shalt  }
0x62: {  	_ =	shalt  }
0x63: {  	_ =	shalt  }
0x64: {  	_ =	shalt  }
0x65: {  	_ =	shalt  }
0x66: {  	_ =	shalt  }
0x67: {  	_ =	shalt  }
0x68: {  	_ =	shalt  }
0x69: {  	_ =	shalt  }
0x6a: {  	_ =	shalt  }
0x6b: {  	_ =	shalt  }
0x6c: {  	_ =	shalt  }
0x6d: {  	_ =	shalt  }
0x6e: {  	_ =	shalt  }
0x6f: {  	_ =	shalt  }
0x70: {  	_ =	shalt  }
0x71: {  	_ =	shalt  }
0x72: {  	_ =	shalt  }
0x73: {  	_ =	shalt  }
0x74: {  	_ =	shalt  }
0x75: {  	_ =	shalt  }
0x76: {  	_ =	shalt  }
0x77: {  	_ =	shalt  }
0x78: {  	_ =	shalt  }
0x79: {  	_ =	shalt  }
0x7a: {  	_ =	shalt  }
0x7b: {  	_ =	shalt  }
0x7c: {  	_ =	shalt  }
0x7d: {  	_ =	shalt  }
0x7e: {  	_ =	shalt  }
0x7f: {  	_ =	shalt  }
0x80: {  	_ =	shalt  }
0x81: {  	_ =	shalt  }
0x82: {  	_ =	shalt  }
0x83: {  	_ =	shalt  }
0x84: {  	_ =	shalt  }
0x85: {  	_ =	shalt  }
0x86: {  	_ =	shalt  }
0x87: {  	_ =	shalt  }
.Lfunc_end0:
.L_simem_size_0:
called_computation.1_lowered:
.L_overlay_start_0:
0x88: {  	s2 =	sld [smem:$0x3FD9]  }
0x89: {  	s3 =	sld [smem:$0x3FFE];
	_ =	sdelay $0x1  }
0x8a: {  	s1 =	srdreg.scid  }
0x8b: {  	s0 =	sand.u32 $0x1, s1  }
0x8c: {  	s14 =	sshll.u32 s0, $0xA;
	s2 =	sadd.s32 s3, s2  }
0x8d: {  	s2 =	sadd.s32 s2, s14  }
0x8e: {  	[smem:$0x3FC6] =	sst s2  }
0x8f: {  	_ = 	snop  }
0x90: {  	s2 =	sld [smem:$0x3FD0];
	_ =	sdelay $0x2  }
0x91: {  	s15 =	simm.s32 $0xA;
	s4 =	simm.s32 $0x10  }
0x92: {  	[smem:s4], [sflag:s15] =	dma.local [hbm:s2], $0x1  }
0x93: {  	_ =	swait.eq [sflag:s15], $0x1  }
0x94: {  	[sflag:s15] =	ssyncset.done $0x0  }
0x95: {  	[sflag:s15] =	ssyncadd.s32 $0xFFFFFFFF  }
0x96: {  	s16 =	sld [smem:$0x10];
	(tm) =	ssettm $0x1  }
0x97: {  	s17 =	sld [smem:$0x3FFB];
	_ =	sdelay $0x3  }
0x98: {  	_ =	strace s17  }
0x99: {  	s3 =	sld [smem:$0x3FFC];
	_ =	sdelay $0x3  }
0x9a: {  	_ =	strace s3  }
0x9b: {  	s3 =	sld [smem:$0x3FFD];
	_ =	sdelay $0x3  }
0x9c: {  	_ =	strace s3  }
0x9d: {  	_ =	strace $0x8FFFFFFF  }
0x9e: {  	s18 =	sld [smem:$0x3FDB];
	_ =	sdelay $0x1  }
0x9f: {  	s19 =	simm.s32 $_scs_section_size  }
0xa0: {  	s5 =	simm.s32 $_size__tile_overlayer_lowered;
	s6 =	simm.s32 $_tile_overlayer_lowered  }
0xa1: {  	s22 =	simm.s32 $0x1BFF;
	s21 =	sshll.u32 s6, $0x1;
	s3 =	sadd.s32 s19, s18  }
0xa2: {  	s7 =	simm.s32 $0x0;
	s20 =	sshll.u32 s5, $0x1;
	s5 =	sadd.s32 s21, s3  }
0xa3: {  	[timem:s7], [sflag:s22] =	dma.local [hbm:s5], s20  }
0xa4: {  	_ =	swait.ge [sflag:s22], s20  }
0xa5: {  	s4 =	ssub.s32 $0x0, s20;
	[sflag:s22] =	ssyncset.done $0x0  }
0xa6: {  	[sflag:s22] =	ssyncadd.s32 s4;
	_ =	sdelay $0x1  }
0xa7: {  	s23 =	simm.s32 $0x1B8B  }
0xa8: {  	_ =	swait.ge [sflag:s23], $0x1  }
0xa9: {  	[sflag:s23] =	ssyncset.done $0x0  }
0xaa: {  	s25 =	simm.s32 $0x1B8E;
	s24 =	sld [smem:$0x3FFE];
	[sflag:s23] =	ssyncadd.s32 $0xFFFFFFFF  }
0xab: {  	s26 =	simm.s32 $execute0_lowered;
	[smem:$0x3FD2] =	sst s25  }
0xac: {  	s5 =	sshll.u32 s26, $0x1;
	_ =	strace $0x80000046;
	[dreg:$0x1] =	wrdreg $0xFFFFFFFF  }
0xad: {  	s28 =	simm.s32 $_size_execute0_lowered;
	s3 =	sadd.s32 s3, s5;
	[dreg:$0x0] =	wrdreg $0x0  }
0xae: {  	s5 =	sshll.u32 s28, $0x1;
	[dreg:$0x2] =	wrdreg s3  }
0xaf: {  	[dreg:$0x3] =	wrdreg s5  }
0xb0: {  	[dreg:$0x4] =	wrdreg $0xC0  }
0xb1: {  	_ =	task [dreg:s7], $0x5FFFF  }
0xb2: {  	[dreg:$0x1] =	wrdreg $0xFFFFFFFF  }
0xb3: {  	[dreg:$0x0] =	wrdreg $0x60  }
0xb4: {  	[dreg:$0x2] =	wrdreg s16  }
0xb5: {  	[dreg:$0x3] =	wrdreg s24  }
0xb6: {  	[dreg:$0x4] =	wrdreg $0x9  }
0xb7: {  	_ =	task.clear_ibuf [dreg:s7], $0x5FFFF;
	_ =	strace $0x90000046  }
0xb8: {  	s29 =	simm.s32 $0x9;
	_ =	strace $0x80000048  }
0xb9: {  	_ =	swait.ge [sflag:s29], $0x1  }
0xba: {  	[sflag:s29] =	ssyncadd.s32 $0xFFFFFFFF  }
0xbb: {  	_ =	strace $0x90000048  }
0xbc: {  	_ =	sfence  }
0xbd: {  	s30 =	sld [smem:$0x0];
	_ =	sdelay $0x2  }
0xbe: {  	s31 =	sshll.u32 s1, $0xD;
	s1 =	sshrl.u32 s1, $0x2  }
0xbf: {  	s3 =	sand.u32 $0x4000, s31;
	s1 =	sadd.s32 s1, s30  }
0xc0: {  	s0 =	sor.u32 s3, s0;
	s1 =	sshll.u32 s1, $0x11  }
0xc1: {  	s0 =	sor.u32 s1, s0  }
0xc2: {  	s0 =	sadd.s32 $0x8F2B, s0  }
0xc3: {  	[sflag:s0] =	ssyncadd.remote.s32 $0x1  }
0xc4: {  	_ =	sfence.sel $0xFFFF  }
0xc5: {  	[dreg:$0x0] =	wrdreg $0xFFFFFFFF;
	(pc) =	sbr.abs _section_cstart, $3  }
0xc6: {  	[dreg:$0x1] =	wrdreg $0xFFFFFFFF  }
0xc7: {  	_ =	task.clear_ibuf [dreg:s7], $0x2FFFF;
	_ =	strace $0x9FFFFFFF  }
0xc8: {  	(tm) =	ssettm $0x7FFFFFFF  }
0xc9: {  	_ =	shalt  }
tec
execute0_lowered:
.L_overlay_start_1:
0x0: {  	(tag) =	ssettag $0x1  }
0x1: {  	s1 =	srdreg.scid  }
0x2: {  	s2 =	rddreg [dreg:$0x0];
	s0 =	stileid.u32;
	s22 =	sand.u32 $0x1, s1  }
0x3: {  	s8 =	rddreg [dreg:$0x1];
	s4 =	sshll.u32 s0, $0xE;
	s5 =	sshll.u32 s22, $0xD  }
0x4: {  	s3 =	simm.s32 $0x0;
	s1 =	rddreg [dreg:$0x2];
	s24 =	sor.u32 s5, s4  }
0x5: {  	[smem:$0x7FF] =	sst s3;
	s21 =	sadd.s32 $0xA2200, s8;
	s4 =	sshrl.u32 s24, $0x3  }
0x6: {  	_ =	strace $0x80000047;
	s5 =	sadd.s32 s21, s4;
	s4 =	simm.s32 $0x2  }
0x7: {  	[tilespmem:s3], [sflag:$0x2] =	stream.linear.gather [hbm4b:s5+s3], $0x400, $0x38;
	[tilespmem:$0x10400] =	vst v63  }
0x8: {  	_ =	swait.ge [sflag:s4], $0x400  }
0x9: {  	[sflag:s4] =	ssyncset.done $0x0  }
0xa: {  	s6 =	simm.s32 $0x400;
	s7 =	simm.s32 $0x1;
	[sflag:s4] =	ssyncadd.s32 $0xFFFFFC00  }
0xb: {  	[tilespmem:s6], [sflag:$0x1] =	stream.indirect.gather [hbm4b:s2+s6], $0x40, s3, s6, $0xb8;
	[tilespmem:$0x10400] =	vst v63  }
0xc: {  	_ =	swait.ge [sflag:s7], $0x10000  }
0xd: {  	s23 =	sadd.s32 $0xAA200, s8;
	s28 =	sshll.u32 s24, $0x3;
	[sflag:s7] =	ssyncset.done $0x0  }
0xe: {  	s8 =	sadd.s32 s23, s28;
	[sflag:s7] =	ssyncadd.s32 $0xFFFF0000  }
0xf: {  	[hbm4b:s8+s3] =	stream.linear.scatter [tilespmem:s6], [sflag:$0x2], $0x10000, $0x38;
	[tilespmem:$0x10400] =	vst v63  }
0x10: {  	s10 =	sor.u32 $0x400, s24;
	_ =	swait.ge [sflag:s4], $0x10000  }
0x11: {  	s9 =	sshrl.u32 s10, $0x3;
	[sflag:s4] =	ssyncset.done $0x0  }
0x12: {  	s9 =	sadd.s32 s21, s9;
	[sflag:s4] =	ssyncadd.s32 $0xFFFF0000  }
0x13: {  	[tilespmem:s3], [sflag:$0x2] =	stream.linear.gather [hbm4b:s9+s3], $0x400, $0x38;
	[tilespmem:$0x10400] =	vst v63  }
0x14: {  	_ =	swait.ge [sflag:s4], $0x400  }
0x15: {  	[sflag:s4] =	ssyncset.done $0x0  }
0x16: {  	[sflag:s4] =	ssyncadd.s32 $0xFFFFFC00  }
0x17: {  	[tilespmem:s6], [sflag:$0x1] =	stream.indirect.gather [hbm4b:s2+s6], $0x40, s3, s6, $0xb8;
	[tilespmem:$0x10400] =	vst v63  }
0x18: {  	_ =	swait.ge [sflag:s7], $0x10000  }
0x19: {  	s10 =	sshll.u32 s10, $0x3;
	[sflag:s7] =	ssyncset.done $0x0  }
0x1a: {  	s10 =	sadd.s32 s23, s10;
	[sflag:s7] =	ssyncadd.s32 $0xFFFF0000  }
0x1b: {  	[hbm4b:s10+s3] =	stream.linear.scatter [tilespmem:s6], [sflag:$0x2], $0x10000, $0x38;
	[tilespmem:$0x10400] =	vst v63  }
0x1c: {  	s12 =	sor.u32 $0x800, s24;
	_ =	swait.ge [sflag:s4], $0x10000  }
0x1d: {  	s11 =	sshrl.u32 s12, $0x3;
	[sflag:s4] =	ssyncset.done $0x0  }
0x1e: {  	s11 =	sadd.s32 s21, s11;
	[sflag:s4] =	ssyncadd.s32 $0xFFFF0000  }
0x1f: {  	[tilespmem:s3], [sflag:$0x2] =	stream.linear.gather [hbm4b:s11+s3], $0x400, $0x38;
	[tilespmem:$0x10400] =	vst v63  }
0x20: {  	_ =	swait.ge [sflag:s4], $0x400  }
0x21: {  	[sflag:s4] =	ssyncset.done $0x0  }
0x22: {  	[sflag:s4] =	ssyncadd.s32 $0xFFFFFC00  }
0x23: {  	[tilespmem:s6], [sflag:$0x1] =	stream.indirect.gather [hbm4b:s2+s6], $0x40, s3, s6, $0xb8;
	[tilespmem:$0x10400] =	vst v63  }
0x24: {  	_ =	swait.ge [sflag:s7], $0x10000  }
0x25: {  	s12 =	sshll.u32 s12, $0x3;
	[sflag:s7] =	ssyncset.done $0x0  }
0x26: {  	s12 =	sadd.s32 s23, s12;
	[sflag:s7] =	ssyncadd.s32 $0xFFFF0000  }
0x27: {  	[hbm4b:s12+s3] =	stream.linear.scatter [tilespmem:s6], [sflag:$0x2], $0x10000, $0x38;
	[tilespmem:$0x10400] =	vst v63  }
0x28: {  	s14 =	sor.u32 $0xC00, s24;
	_ =	swait.ge [sflag:s4], $0x10000  }
0x29: {  	s13 =	sshrl.u32 s14, $0x3;
	[sflag:s4] =	ssyncset.done $0x0  }
0x2a: {  	s13 =	sadd.s32 s21, s13;
	[sflag:s4] =	ssyncadd.s32 $0xFFFF0000  }
0x2b: {  	[tilespmem:s3], [sflag:$0x2] =	stream.linear.gather [hbm4b:s13+s3], $0x400, $0x38;
	[tilespmem:$0x10400] =	vst v63  }
0x2c: {  	_ =	swait.ge [sflag:s4], $0x400  }
0x2d: {  	[sflag:s4] =	ssyncset.done $0x0  }
0x2e: {  	[sflag:s4] =	ssyncadd.s32 $0xFFFFFC00  }
0x2f: {  	[tilespmem:s6], [sflag:$0x1] =	stream.indirect.gather [hbm4b:s2+s6], $0x40, s3, s6, $0xb8;
	[tilespmem:$0x10400] =	vst v63  }
0x30: {  	_ =	swait.ge [sflag:s7], $0x10000  }
0x31: {  	s14 =	sshll.u32 s14, $0x3;
	[sflag:s7] =	ssyncset.done $0x0  }
0x32: {  	s14 =	sadd.s32 s23, s14;
	[sflag:s7] =	ssyncadd.s32 $0xFFFF0000  }
0x33: {  	[hbm4b:s14+s3] =	stream.linear.scatter [tilespmem:s6], [sflag:$0x2], $0x10000, $0x38;
	[tilespmem:$0x10400] =	vst v63  }
0x34: {  	s16 =	sor.u32 $0x1000, s24;
	_ =	swait.ge [sflag:s4], $0x10000  }
0x35: {  	s15 =	sshrl.u32 s16, $0x3;
	[sflag:s4] =	ssyncset.done $0x0  }
0x36: {  	s15 =	sadd.s32 s21, s15;
	[sflag:s4] =	ssyncadd.s32 $0xFFFF0000  }
0x37: {  	[tilespmem:s3], [sflag:$0x2] =	stream.linear.gather [hbm4b:s15+s3], $0x400, $0x38;
	[tilespmem:$0x10400] =	vst v63  }
0x38: {  	_ =	swait.ge [sflag:s4], $0x400  }
0x39: {  	[sflag:s4] =	ssyncset.done $0x0  }
0x3a: {  	[sflag:s4] =	ssyncadd.s32 $0xFFFFFC00  }
0x3b: {  	[tilespmem:s6], [sflag:$0x1] =	stream.indirect.gather [hbm4b:s2+s6], $0x40, s3, s6, $0xb8;
	[tilespmem:$0x10400] =	vst v63  }
0x3c: {  	_ =	swait.ge [sflag:s7], $0x10000  }
0x3d: {  	s16 =	sshll.u32 s16, $0x3;
	[sflag:s7] =	ssyncset.done $0x0  }
0x3e: {  	s16 =	sadd.s32 s23, s16;
	[sflag:s7] =	ssyncadd.s32 $0xFFFF0000  }
0x3f: {  	[hbm4b:s16+s3] =	stream.linear.scatter [tilespmem:s6], [sflag:$0x2], $0x10000, $0x38;
	[tilespmem:$0x10400] =	vst v63  }
0x40: {  	s18 =	sor.u32 $0x1400, s24;
	_ =	swait.ge [sflag:s4], $0x10000  }
0x41: {  	s17 =	sshrl.u32 s18, $0x3;
	[sflag:s4] =	ssyncset.done $0x0  }
0x42: {  	s17 =	sadd.s32 s21, s17;
	[sflag:s4] =	ssyncadd.s32 $0xFFFF0000  }
0x43: {  	[tilespmem:s3], [sflag:$0x2] =	stream.linear.gather [hbm4b:s17+s3], $0x400, $0x38;
	[tilespmem:$0x10400] =	vst v63  }
0x44: {  	_ =	swait.ge [sflag:s4], $0x400  }
0x45: {  	[sflag:s4] =	ssyncset.done $0x0  }
0x46: {  	[sflag:s4] =	ssyncadd.s32 $0xFFFFFC00  }
0x47: {  	[tilespmem:s6], [sflag:$0x1] =	stream.indirect.gather [hbm4b:s2+s6], $0x40, s3, s6, $0xb8;
	[tilespmem:$0x10400] =	vst v63  }
0x48: {  	_ =	swait.ge [sflag:s7], $0x10000  }
0x49: {  	s18 =	sshll.u32 s18, $0x3;
	[sflag:s7] =	ssyncset.done $0x0  }
0x4a: {  	s18 =	sadd.s32 s23, s18;
	[sflag:s7] =	ssyncadd.s32 $0xFFFF0000  }
0x4b: {  	[hbm4b:s18+s3] =	stream.linear.scatter [tilespmem:s6], [sflag:$0x2], $0x10000, $0x38;
	[tilespmem:$0x10400] =	vst v63  }
0x4c: {  	s20 =	sor.u32 $0x1800, s24;
	_ =	swait.ge [sflag:s4], $0x10000  }
0x4d: {  	s19 =	sshrl.u32 s20, $0x3;
	[sflag:s4] =	ssyncset.done $0x0  }
0x4e: {  	s19 =	sadd.s32 s21, s19;
	[sflag:s4] =	ssyncadd.s32 $0xFFFF0000  }
0x4f: {  	[tilespmem:s3], [sflag:$0x2] =	stream.linear.gather [hbm4b:s19+s3], $0x400, $0x38;
	[tilespmem:$0x10400] =	vst v63  }
0x50: {  	_ =	swait.ge [sflag:s4], $0x400  }
0x51: {  	[sflag:s4] =	ssyncset.done $0x0  }
0x52: {  	[sflag:s4] =	ssyncadd.s32 $0xFFFFFC00  }
0x53: {  	[tilespmem:s6], [sflag:$0x1] =	stream.indirect.gather [hbm4b:s2+s6], $0x40, s3, s6, $0xb8;
	[tilespmem:$0x10400] =	vst v63  }
0x54: {  	_ =	swait.ge [sflag:s7], $0x10000  }
0x55: {  	s20 =	sshll.u32 s20, $0x3;
	[sflag:s7] =	ssyncset.done $0x0  }
0x56: {  	s20 =	sadd.s32 s23, s20;
	[sflag:s7] =	ssyncadd.s32 $0xFFFF0000  }
0x57: {  	[hbm4b:s20+s3] =	stream.linear.scatter [tilespmem:s6], [sflag:$0x2], $0x10000, $0x38;
	[tilespmem:$0x10400] =	vst v63  }
0x58: {  	s24 =	sor.u32 $0x1C00, s24;
	_ =	swait.ge [sflag:s4], $0x10000  }
0x59: {  	s25 =	sshrl.u32 s24, $0x3;
	[sflag:s4] =	ssyncset.done $0x0  }
0x5a: {  	s22 =	ssub.s32 $0x2, s22;
	s21 =	sadd.s32 s21, s25;
	[sflag:s4] =	ssyncadd.s32 $0xFFFF0000  }
0x5b: {  	[tilespmem:s3], [sflag:$0x2] =	stream.linear.gather [hbm4b:s21+s3], $0x400, $0x38;
	[tilespmem:$0x10400] =	vst v63  }
0x5c: {  	s29 =	sshrl.u32 s22, $0x1;
	_ =	swait.ge [sflag:s4], $0x400  }
0x5d: {  	s25 =	ssub.s32 s22, s29;
	[sflag:s4] =	ssyncset.done $0x0  }
0x5e: {  	s31 =	smax.u32 s25, $0x1;
	[sflag:s4] =	ssyncadd.s32 $0xFFFFFC00  }
0x5f: {  	[tilespmem:s6], [sflag:$0x1] =	stream.indirect.gather [hbm4b:s2+s6], $0x40, s3, s6, $0xb8;
	[tilespmem:$0x10400] =	vst v63  }
0x60: {  	p0 =	sne.s32 s31, $0x1;
	_ =	swait.ge [sflag:s7], $0x10000  }
.Ltmp0:
0x61: {  	s30 =	sshll.u32 s24, $0x3;
	[sflag:s7] =	ssyncset.done $0x0;
	(pc) =	sbr.rel @!p0 .LBB2_2-.Ltmp0, $4  }
0x62: {  	s22 =	sadd.s32 s23, s30;
	[sflag:s7] =	ssyncadd.s32 $0xFFFF0000  }
0x63: {  	[hbm4b:s22+s3] =	stream.linear.scatter [tilespmem:s6], [sflag:$0x2], $0x10000, $0x38;
	[tilespmem:$0x10400] =	vst v63  }
0x64: {  	_ =	swait.ge [sflag:s4], $0x10000  }
0x65: {  	s23 =	sadd.s32 $0xFFFFFFFF, s31;
	[sflag:s4] =	ssyncset.done $0x0  }
.LBB2_1:
0x66: {  	p0 =	sne.s32 s23, $0x1;
	s23 =	sadd.s32 $0xFFFFFFFF, s23;
	[sflag:s4] =	ssyncadd.s32 $0xFFFF0000  }
0x67: {  	[tilespmem:s3], [sflag:$0x2] =	stream.linear.gather [hbm4b:s5+s3], $0x400, $0x38;
	[tilespmem:$0x10400] =	vst v63  }
0x68: {  	_ =	swait.ge [sflag:s4], $0x400  }
0x69: {  	[sflag:s4] =	ssyncset.done $0x0  }
0x6a: {  	[sflag:s4] =	ssyncadd.s32 $0xFFFFFC00  }
0x6b: {  	[tilespmem:s6], [sflag:$0x1] =	stream.indirect.gather [hbm4b:s2+s6], $0x40, s3, s6, $0xb8;
	[tilespmem:$0x10400] =	vst v63  }
0x6c: {  	_ =	swait.ge [sflag:s7], $0x10000  }
0x6d: {  	[sflag:s7] =	ssyncset.done $0x0  }
0x6e: {  	[sflag:s7] =	ssyncadd.s32 $0xFFFF0000  }
0x6f: {  	[hbm4b:s8+s3] =	stream.linear.scatter [tilespmem:s6], [sflag:$0x2], $0x10000, $0x38;
	[tilespmem:$0x10400] =	vst v63  }
0x70: {  	_ =	swait.ge [sflag:s4], $0x10000  }
0x71: {  	[sflag:s4] =	ssyncset.done $0x0  }
0x72: {  	[sflag:s4] =	ssyncadd.s32 $0xFFFF0000  }
0x73: {  	[tilespmem:s3], [sflag:$0x2] =	stream.linear.gather [hbm4b:s9+s3], $0x400, $0x38;
	[tilespmem:$0x10400] =	vst v63  }
0x74: {  	_ =	swait.ge [sflag:s4], $0x400  }
0x75: {  	[sflag:s4] =	ssyncset.done $0x0  }
0x76: {  	[sflag:s4] =	ssyncadd.s32 $0xFFFFFC00  }
0x77: {  	[tilespmem:s6], [sflag:$0x1] =	stream.indirect.gather [hbm4b:s2+s6], $0x40, s3, s6, $0xb8;
	[tilespmem:$0x10400] =	vst v63  }
0x78: {  	_ =	swait.ge [sflag:s7], $0x10000  }
0x79: {  	[sflag:s7] =	ssyncset.done $0x0  }
0x7a: {  	[sflag:s7] =	ssyncadd.s32 $0xFFFF0000  }
0x7b: {  	[hbm4b:s10+s3] =	stream.linear.scatter [tilespmem:s6], [sflag:$0x2], $0x10000, $0x38;
	[tilespmem:$0x10400] =	vst v63  }
0x7c: {  	_ =	swait.ge [sflag:s4], $0x10000  }
0x7d: {  	[sflag:s4] =	ssyncset.done $0x0  }
0x7e: {  	[sflag:s4] =	ssyncadd.s32 $0xFFFF0000  }
0x7f: {  	[tilespmem:s3], [sflag:$0x2] =	stream.linear.gather [hbm4b:s11+s3], $0x400, $0x38;
	[tilespmem:$0x10400] =	vst v63  }
0x80: {  	_ =	swait.ge [sflag:s4], $0x400  }
0x81: {  	[sflag:s4] =	ssyncset.done $0x0  }
0x82: {  	[sflag:s4] =	ssyncadd.s32 $0xFFFFFC00  }
0x83: {  	[tilespmem:s6], [sflag:$0x1] =	stream.indirect.gather [hbm4b:s2+s6], $0x40, s3, s6, $0xb8;
	[tilespmem:$0x10400] =	vst v63  }
0x84: {  	_ =	swait.ge [sflag:s7], $0x10000  }
0x85: {  	[sflag:s7] =	ssyncset.done $0x0  }
0x86: {  	[sflag:s7] =	ssyncadd.s32 $0xFFFF0000  }
0x87: {  	[hbm4b:s12+s3] =	stream.linear.scatter [tilespmem:s6], [sflag:$0x2], $0x10000, $0x38;
	[tilespmem:$0x10400] =	vst v63  }
0x88: {  	_ =	swait.ge [sflag:s4], $0x10000  }
0x89: {  	[sflag:s4] =	ssyncset.done $0x0  }
0x8a: {  	[sflag:s4] =	ssyncadd.s32 $0xFFFF0000  }
0x8b: {  	[tilespmem:s3], [sflag:$0x2] =	stream.linear.gather [hbm4b:s13+s3], $0x400, $0x38;
	[tilespmem:$0x10400] =	vst v63  }
0x8c: {  	_ =	swait.ge [sflag:s4], $0x400  }
0x8d: {  	[sflag:s4] =	ssyncset.done $0x0  }
0x8e: {  	[sflag:s4] =	ssyncadd.s32 $0xFFFFFC00  }
0x8f: {  	[tilespmem:s6], [sflag:$0x1] =	stream.indirect.gather [hbm4b:s2+s6], $0x40, s3, s6, $0xb8;
	[tilespmem:$0x10400] =	vst v63  }
0x90: {  	_ =	swait.ge [sflag:s7], $0x10000  }
0x91: {  	[sflag:s7] =	ssyncset.done $0x0  }
0x92: {  	[sflag:s7] =	ssyncadd.s32 $0xFFFF0000  }
0x93: {  	[hbm4b:s14+s3] =	stream.linear.scatter [tilespmem:s6], [sflag:$0x2], $0x10000, $0x38;
	[tilespmem:$0x10400] =	vst v63  }
0x94: {  	_ =	swait.ge [sflag:s4], $0x10000  }
0x95: {  	[sflag:s4] =	ssyncset.done $0x0  }
0x96: {  	[sflag:s4] =	ssyncadd.s32 $0xFFFF0000  }
0x97: {  	[tilespmem:s3], [sflag:$0x2] =	stream.linear.gather [hbm4b:s15+s3], $0x400, $0x38;
	[tilespmem:$0x10400] =	vst v63  }
0x98: {  	_ =	swait.ge [sflag:s4], $0x400  }
0x99: {  	[sflag:s4] =	ssyncset.done $0x0  }
0x9a: {  	[sflag:s4] =	ssyncadd.s32 $0xFFFFFC00  }
0x9b: {  	[tilespmem:s6], [sflag:$0x1] =	stream.indirect.gather [hbm4b:s2+s6], $0x40, s3, s6, $0xb8;
	[tilespmem:$0x10400] =	vst v63  }
0x9c: {  	_ =	swait.ge [sflag:s7], $0x10000  }
0x9d: {  	[sflag:s7] =	ssyncset.done $0x0  }
0x9e: {  	[sflag:s7] =	ssyncadd.s32 $0xFFFF0000  }
0x9f: {  	[hbm4b:s16+s3] =	stream.linear.scatter [tilespmem:s6], [sflag:$0x2], $0x10000, $0x38;
	[tilespmem:$0x10400] =	vst v63  }
0xa0: {  	_ =	swait.ge [sflag:s4], $0x10000  }
0xa1: {  	[sflag:s4] =	ssyncset.done $0x0  }
0xa2: {  	[sflag:s4] =	ssyncadd.s32 $0xFFFF0000  }
0xa3: {  	[tilespmem:s3], [sflag:$0x2] =	stream.linear.gather [hbm4b:s17+s3], $0x400, $0x38;
	[tilespmem:$0x10400] =	vst v63  }
0xa4: {  	_ =	swait.ge [sflag:s4], $0x400  }
0xa5: {  	[sflag:s4] =	ssyncset.done $0x0  }
0xa6: {  	[sflag:s4] =	ssyncadd.s32 $0xFFFFFC00  }
0xa7: {  	[tilespmem:s6], [sflag:$0x1] =	stream.indirect.gather [hbm4b:s2+s6], $0x40, s3, s6, $0xb8;
	[tilespmem:$0x10400] =	vst v63  }
0xa8: {  	_ =	swait.ge [sflag:s7], $0x10000  }
0xa9: {  	[sflag:s7] =	ssyncset.done $0x0  }
0xaa: {  	[sflag:s7] =	ssyncadd.s32 $0xFFFF0000  }
0xab: {  	[hbm4b:s18+s3] =	stream.linear.scatter [tilespmem:s6], [sflag:$0x2], $0x10000, $0x38;
	[tilespmem:$0x10400] =	vst v63  }
0xac: {  	_ =	swait.ge [sflag:s4], $0x10000  }
0xad: {  	[sflag:s4] =	ssyncset.done $0x0  }
0xae: {  	[sflag:s4] =	ssyncadd.s32 $0xFFFF0000  }
0xaf: {  	[tilespmem:s3], [sflag:$0x2] =	stream.linear.gather [hbm4b:s19+s3], $0x400, $0x38;
	[tilespmem:$0x10400] =	vst v63  }
0xb0: {  	_ =	swait.ge [sflag:s4], $0x400  }
0xb1: {  	[sflag:s4] =	ssyncset.done $0x0  }
0xb2: {  	[sflag:s4] =	ssyncadd.s32 $0xFFFFFC00  }
0xb3: {  	[tilespmem:s6], [sflag:$0x1] =	stream.indirect.gather [hbm4b:s2+s6], $0x40, s3, s6, $0xb8;
	[tilespmem:$0x10400] =	vst v63  }
0xb4: {  	_ =	swait.ge [sflag:s7], $0x10000  }
0xb5: {  	[sflag:s7] =	ssyncset.done $0x0  }
0xb6: {  	[sflag:s7] =	ssyncadd.s32 $0xFFFF0000  }
0xb7: {  	[hbm4b:s20+s3] =	stream.linear.scatter [tilespmem:s6], [sflag:$0x2], $0x10000, $0x38;
	[tilespmem:$0x10400] =	vst v63  }
0xb8: {  	_ =	swait.ge [sflag:s4], $0x10000  }
0xb9: {  	[sflag:s4] =	ssyncset.done $0x0  }
0xba: {  	[sflag:s4] =	ssyncadd.s32 $0xFFFF0000  }
0xbb: {  	[tilespmem:s3], [sflag:$0x2] =	stream.linear.gather [hbm4b:s21+s3], $0x400, $0x38;
	[tilespmem:$0x10400] =	vst v63  }
0xbc: {  	_ =	swait.ge [sflag:s4], $0x400  }
0xbd: {  	[sflag:s4] =	ssyncset.done $0x0  }
0xbe: {  	[sflag:s4] =	ssyncadd.s32 $0xFFFFFC00  }
0xbf: {  	[tilespmem:s6], [sflag:$0x1] =	stream.indirect.gather [hbm4b:s2+s6], $0x40, s3, s6, $0xb8;
	[tilespmem:$0x10400] =	vst v63  }
0xc0: {  	_ =	swait.ge [sflag:s7], $0x10000  }
.Ltmp1:
0xc1: {  	[sflag:s7] =	ssyncset.done $0x0;
	(pc) =	sbr.rel @p0 .LBB2_1-.Ltmp1, $4  }
0xc2: {  	[sflag:s7] =	ssyncadd.s32 $0xFFFF0000  }
0xc3: {  	[hbm4b:s22+s3] =	stream.linear.scatter [tilespmem:s6], [sflag:$0x2], $0x10000, $0x38;
	[tilespmem:$0x10400] =	vst v63  }
0xc4: {  	_ =	swait.ge [sflag:s4], $0x10000  }
0xc5: {  	[sflag:s4] =	ssyncset.done $0x0  }
.LBB2_2:
0xc6: {  	[sflag:s4] =	ssyncadd.s32 $0xFFFF0000  }
0xc7: {  	_ =	sfence.sel $0x180000  }
0xc8: {  	[bflag:$0x0] =	sbarrier.arrive $0xFFFF  }
0xc9: {  	p0 =	sne.s32 s0, $0x0;
	_ =	strace $0x90000047  }
0xca: {  	s0 =	sadd.s32 @!p0 $0x100000, s1;
	[bflag:$0x2] =	sbarrier.arrive $0xFFFF  }
0xcb: {  	[sflag:s0] =	ssyncadd.tile.s32 @!p0 $0x1;
	_ =	shalt  }
.Lfunc_end2:
_tile_overlayer_lowered:
.L_overlay_start_2:
0xcc: {  	(tag) =	ssettag $0x2  }
0xcd: {  	s0 =	rddreg [dreg:$0x0];
	s2 =	stileid.u32  }
0xce: {  	s1 =	rddreg [dreg:$0x1];
	p0 =	sne.s32 s2, $0x0  }
0xcf: {  	s3 =	rddreg [dreg:$0x2];
	[bflag:$0x3] =	sbarrier.arrive $0xFFFF;
	s2 =	simm.s32 @!p0 $0x1C02  }
0xd0: {  	[timem:s3], [sflag:s2] =	dma.local @!p0 [hbm:s0], s1  }
0xd1: {  	s0 =	simm.s32 @!p0 $0x2  }
0xd2: {  	_ =	swait.ge @!p0 [sflag:s0], s1  }
0xd3: {  	s1 =	ssub.s32 @!p0 $0x0, s1;
	[sflag:s0] =	ssyncset.done @!p0 $0x0  }
0xd4: {  	[sflag:s0] =	ssyncadd.s32 @!p0 s1  }
0xd5: {  	[bflag:$0x3] =	sbarrier.arrive $0xFFFF  }
0xd6: {  	_ =	shalt  }

// kernel: sparse-core-data-format-call.cloned.1.call-start
scs
called_computation_lowered:
.L_overlay_start_0:
0x0: {  	s2 =	sld [smem:$0x3FD9]  }
0x1: {  	s3 =	sld [smem:$0x3FFE];
	_ =	sdelay $0x1  }
0x2: {  	s1 =	srdreg.scid  }
0x3: {  	s0 =	sand.u32 $0x1, s1  }
0x4: {  	s15 =	sshll.u32 s0, $0xA;
	s2 =	sadd.s32 s3, s2  }
0x5: {  	s2 =	sadd.s32 s2, s15  }
0x6: {  	[smem:$0x3FC6] =	sst s2  }
0x7: {  	_ = 	snop  }
0x8: {  	s2 =	sld [smem:$0x3FD0];
	_ =	sdelay $0x2  }
0x9: {  	s16 =	simm.s32 $0xA;
	s4 =	simm.s32 $0x10  }
0xa: {  	[smem:s4], [sflag:s16] =	dma.local [hbm:s2], $0x1  }
0xb: {  	_ =	swait.eq [sflag:s16], $0x1  }
0xc: {  	[sflag:s16] =	ssyncset.done $0x0  }
0xd: {  	[sflag:s16] =	ssyncadd.s32 $0xFFFFFFFF  }
0xe: {  	s17 =	sld [smem:$0x10];
	(tm) =	ssettm $0x1  }
0xf: {  	s18 =	sld [smem:$0x3FFB];
	_ =	sdelay $0x3  }
0x10: {  	_ =	strace s18  }
0x11: {  	s3 =	sld [smem:$0x3FFC];
	_ =	sdelay $0x3  }
0x12: {  	_ =	strace s3  }
0x13: {  	s3 =	sld [smem:$0x3FFD];
	_ =	sdelay $0x3  }
0x14: {  	_ =	strace s3  }
0x15: {  	_ =	strace $0x8FFFFFFF  }
0x16: {  	s19 =	sld [smem:$0x3FDB];
	_ =	sdelay $0x1  }
0x17: {  	s20 =	simm.s32 $_scs_section_size  }
0x18: {  	s5 =	simm.s32 $_size__tile_overlayer_lowered;
	s6 =	simm.s32 $_tile_overlayer_lowered  }
0x19: {  	s23 =	simm.s32 $0x1BFF;
	s22 =	sshll.u32 s6, $0x1;
	s3 =	sadd.s32 s20, s19  }
0x1a: {  	s7 =	simm.s32 $0x0;
	s21 =	sshll.u32 s5, $0x1;
	s5 =	sadd.s32 s22, s3  }
0x1b: {  	[timem:s7], [sflag:s23] =	dma.local [hbm:s5], s21  }
0x1c: {  	_ =	swait.ge [sflag:s23], s21  }
0x1d: {  	s4 =	ssub.s32 $0x0, s21;
	[sflag:s23] =	ssyncset.done $0x0  }
0x1e: {  	[sflag:s23] =	ssyncadd.s32 s4;
	_ =	sdelay $0x1  }
0x1f: {  	s24 =	simm.s32 $0x1B8B  }
0x20: {  	_ =	swait.ge [sflag:s24], $0x1  }
0x21: {  	[sflag:s24] =	ssyncset.done $0x0  }
0x22: {  	s26 =	simm.s32 $0x1B8E;
	s25 =	sld [smem:$0x3FFE];
	[sflag:s24] =	ssyncadd.s32 $0xFFFFFFFF  }
0x23: {  	s27 =	simm.s32 $execute0_lowered;
	[smem:$0x3FD2] =	sst s26  }
0x24: {  	s5 =	sshll.u32 s27, $0x1;
	_ =	strace $0x80000049;
	[dreg:$0x1] =	wrdreg $0xFFFFFFFF  }
0x25: {  	s28 =	simm.s32 $_size_execute0_lowered;
	s3 =	sadd.s32 s3, s5;
	[dreg:$0x0] =	wrdreg $0x0  }
0x26: {  	s5 =	sshll.u32 s28, $0x1;
	[dreg:$0x2] =	wrdreg s3  }
0x27: {  	[dreg:$0x3] =	wrdreg s5  }
0x28: {  	[dreg:$0x4] =	wrdreg $0xC0  }
0x29: {  	_ =	task [dreg:s7], $0x5FFFF  }
0x2a: {  	[dreg:$0x1] =	wrdreg $0xFFFFFFFF  }
0x2b: {  	[dreg:$0x0] =	wrdreg $0x60  }
0x2c: {  	[dreg:$0x2] =	wrdreg s25  }
0x2d: {  	[dreg:$0x3] =	wrdreg s17  }
0x2e: {  	[dreg:$0x4] =	wrdreg $0x9  }
0x2f: {  	_ =	task.clear_ibuf [dreg:s7], $0x5FFFF;
	_ =	strace $0x90000049  }
0x30: {  	s29 =	simm.s32 $0x9;
	_ =	strace $0x8000004B  }
0x31: {  	_ =	swait.ge [sflag:s29], $0x1  }
0x32: {  	[sflag:s29] =	ssyncadd.s32 $0xFFFFFFFF  }
0x33: {  	_ =	strace $0x9000004B  }
0x34: {  	_ =	sfence  }
0x35: {  	s30 =	sld [smem:$0x0];
	_ =	sdelay $0x2  }
0x36: {  	s31 =	sshll.u32 s1, $0xD;
	s1 =	sshrl.u32 s1, $0x2  }
0x37: {  	s3 =	sand.u32 $0x4000, s31;
	s1 =	sadd.s32 s1, s30  }
0x38: {  	s0 =	sor.u32 s3, s0;
	s1 =	sshll.u32 s1, $0x11  }
0x39: {  	s0 =	sor.u32 s1, s0  }
0x3a: {  	s0 =	sadd.s32 $0x8F2B, s0  }
0x3b: {  	[sflag:s0] =	ssyncadd.remote.s32 $0x1  }
0x3c: {  	_ =	sfence.sel $0xFFFF  }
0x3d: {  	[dreg:$0x0] =	wrdreg $0xFFFFFFFF;
	(pc) =	sbr.abs _section_cstart, $3  }
0x3e: {  	[dreg:$0x1] =	wrdreg $0xFFFFFFFF  }
0x3f: {  	_ =	task.clear_ibuf [dreg:s7], $0x2FFFF;
	_ =	strace $0x9FFFFFFF  }
0x40: {  	(tm) =	ssettm $0x7FFFFFFF  }
0x41: {  	_ =	shalt  }
tec
execute0_lowered:
.L_overlay_start_1:
0x0: {  	(tag) =	ssettag $0x1  }
0x1: {  	s0 =	srdreg.scid  }
0x2: {  	s1 =	sshll.u32 s0, $0x4  }
0x3: {  	s6 =	rddreg [dreg:$0x0];
	s0 =	stileid.u32;
	s1 =	sand.u32 $0x10, s1  }
0x4: {  	s3 =	rddreg [dreg:$0x1];
	s5 =	simm.s32 $0x1;
	s1 =	sor.u32 s0, s1  }
0x5: {  	s31 =	simm.s32 $0x2;
	s12 =	simm.s32 $0x0;
	s2 =	sshll.u32 s1, $0x7  }
0x6: {  	s8 =	simm.s32 $0x20000;
	s13 =	simm.s32 $0x0;
	s4 =	ssub.s32 $0x4000, s2  }
0x7: {  	s9 =	simm.s32 $0x0;
	s11 =	simm.s32 $0x0;
	s30 =	sand.u32 $0xF80, s4  }
.Ltmp0:
0x8: {  	s6 =	sadd.s32 $0x2AA200, s6;
	p0 =	sne.s32 s30, $0x0;
	(pc) =	sbr.rel .LBB1_1-.Ltmp0, $4  }
0x9: {  	s1 =	rddreg [dreg:$0x2];
	s7 =	sshrl.u32 s4, $0xC;
	s5 =	simm.s32 @!p0 $0x0  }
0xa: {  	_ =	strace $0x8000004A;
	s4 =	simm.s32 $0x1;
	s5 =	sadd.s32 s5, s7  }
0xb: {  	s10 =	smov.u32 s2;
	[sflag:s4] =	ssyncpa.u1 $0x0;
	s5 =	sshll.u32 s5, $0x4  }
0xc: {  	[sflag:s31] =	ssyncpa.u1 $0x0;
	p0 =	por $0x0, $0x0;
	s7 =	sor.u32 $0x1, s5  }
.LBB1_4:
0xd: {  	s16 =	sshll.u32 s13, $0x3;
	s17 =	sand.u32 $0x78, s13  }
0xe: {  	s30 =	sand.u32 $0x1F800, s13;
	s12 =	sshll.u32 s12, $0x11;
	s16 =	sand.u32 $0x3C00, s16  }
0xf: {  	[tilespmem:s15+$0x810 ss:$0x81] =	vst.msk $0xffff, v2;
	s31 =	sand.u32 $0x7, s13;
	s16 =	sor.u32 s17, s16;
	s17 =	sadd.s32 s3, s30  }
0x10: {  	[tilespmem:s15+$0x1020 ss:$0x81] =	vst.msk $0xffff, v0;
	s13 =	sshll.u32 s31, $0x12;
	s12 =	sadd.s32 s12, s17;
	s16 =	sshrl.u32 s16, $0x3  }
0x11: {  	[tilespmem:s15+$0x0 ss:$0x81] =	vst.msk $0xffff, v1;
	s13 =	sor.u32 $0x400, s13;
	s12 =	sadd.s32 s16, s12  }
0x12: {  	[hbm4b:s12+s13] =	stream.strided.scatter [tilespmem:s14], [sflag:$0x2], $0x2000, s8, s13, $0x20;
	[tilespmem:$0x8080] =	vst v63  }
.LBB1_5:
0x13: {  	s14 =	sadd.s32 $0x1, s9  }
0x14: {  	s12 =	sadd.s32 $0x1000, s10;
	s16 =	smov.u32 s10;
	p2 =	sgt.s32 s14, $0xF  }
0x15: {  	s16 =	smov.u32 @p2 s12  }
0x16: {  	s14 =	simm.s32 @p2 $0x0;
	p2 =	sgt.s32 s16, $0x3FFF  }
0x17: {  	s16 =	smov.u32 @p2 s2;
	p2 =	sne.s32 s11, s7  }
.Ltmp1:
0x18: {  	p1 =	slt.u32 s11, $0x2;
	(pc) =	sbr.rel @!p2 .LBB1_6-.Ltmp1, $4  }
0x19: {  	s15 =	simm.s32 @!p1 $0x2  }
0x1a: {  	s13 =	smov.u32 s10;
	p0 =	por !p0, !p0;
	_ =	swait.ge @!p1 [sflag:s15], $0x2000  }
0x1b: {  	s12 =	smov.u32 s9;
	[sflag:s15] =	ssyncset.done @!p1 $0x0;
	s9 =	smov.u32 s14  }
0x1c: {  	s11 =	sadd.s32 $0x1, s11;
	[sflag:s15] =	ssyncadd.s32 @!p1 $0xFFFFE000;
	s10 =	smov.u32 s16  }
.LBB1_1:
0x1d: {  	p1 =	sge.u32 s11, s5  }
0x1e: {  	s31 =	sadd.s32 $0xFFFFFFFF, s11;
	s14 =	sxor.u32 @!p1 $0xFFFFFFFF, s11  }
0x1f: {  	s15 =	sshll.u32 @!p1 s10, $0x8;
	s16 =	sshll.u32 @!p1 s9, $0x4;
	s17 =	simm.s32 @!p1 $0x800  }
0x20: {  	s14 =	sshll.u32 @!p1 s14, $0xD;
	s16 =	sand.u32 @!p1 $0xF0, s16;
	s15 =	sadd.s32 @!p1 s6, s15  }
0x21: {  	s14 =	sand.u32 @!p1 $0x2000, s14;
	s15 =	sadd.s32 @!p1 s16, s15;
	s16 =	simm.s32 @!p1 $0x40  }
0x22: {  	[tilespmem:s14], [sflag:$0x1] =	stream.strided.gather @!p1 [hbm4b:s15+s16], $0x2000, s17, s16, $0x38;
	[tilespmem:$0x8080] =	vst v63  }
0x23: {  	p1 =	sge.u32 s31, s5  }
.Ltmp2:
0x24: {  	_ = 	snop;
	(pc) =	sbr.rel @p1 .LBB1_5-.Ltmp2, $1  }
0x25: {  	_ =	sdelay $0x3  }
0x26: {  	s14 =	simm.s32 $0x1  }
0x27: {  	_ =	swait.ge [sflag:s4], $0x2000;
	s14 =	simm.s32 @!p0 $0x0  }
0x28: {  	[sflag:s4] =	ssyncset.done $0x0;
	s15 =	sshll.u32 s14, $0xD  }
0x29: {  	[sflag:s4] =	ssyncadd.s32 $0xFFFFE000;
	s18 =	sor.u32 $0x20, s15  }
0x2a: {  	s14 =	smul.u32 $0x8100, s14;
	v3 =	vld [tilespmem:s18+$0x10]  }
0x2b: {  	s30 =	sand.u32 $0x1, s11;
	v2 =	vld [tilespmem:s18+$0xFFFFFFF0]  }
0x2c: {  	s15 =	smul.u32 $0x8100, s30;
	s14 =	sshrl.u32 s14, $0x2;
	v0 =	vld [tilespmem:s18+$0x0]  }
0x2d: {  	v1 =	vld [tilespmem:s18+$0xFFFFFFE0];
	s16 =	sor.u32 $0x4000, s14  }
0x2e: {  	s31 =	sshrl.u32 s15, $0x2;
	s15 =	sadd.s32 $0x0, s16  }
0x2f: {  	s17 =	simm.s32 $0x4;
	s18 =	sadd.s32 $0x40, s18;
	s14 =	sor.u32 $0x4000, s31;
	[tilespmem:s15+$0x1830 ss:$0x81] =	vst.msk $0xffff, v3  }
.LBB1_3:
0x30: {  	v3 =	vld [tilespmem:s18+$0x10];
	p1 =	sne.s32 s17, $0x1FC;
	[tilespmem:s15+$0x810 ss:$0x81] =	vst.msk $0xffff, v2;
	s19 =	smov.u32 s17;
	s17 =	sadd.s32 $0x4, s17  }
.Ltmp3:
0x31: {  	v2 =	vld [tilespmem:s18+$0xFFFFFFF0];
	[tilespmem:s15+$0x1020 ss:$0x81] =	vst.msk $0xffff, v0;
	(pc) =	sbr.rel @p1 .LBB1_3-.Ltmp3, $4  }
0x32: {  	v0 =	vld [tilespmem:s18+$0x0];
	[tilespmem:s15+$0x0 ss:$0x81] =	vst.msk $0xffff, v1  }
0x33: {  	s15 =	sshra.s32 s19, $0x2;
	v1 =	vld [tilespmem:s18+$0xFFFFFFE0]  }
0x34: {  	s15 =	sadd.s32 s15, s16  }
0x35: {  	s18 =	sadd.s32 $0x40, s18;
	[tilespmem:s15+$0x1830 ss:$0x81] =	vst.msk $0xffff, v3  }
.Ltmp4:
0x36: {  	_ = 	snop;
	(pc) =	sbr.rel .LBB1_4-.Ltmp4, $1  }
0x37: {  	_ =	sdelay $0x3  }
.LBB1_6:
0x38: {  	_ =	sfence.sel $0x180000  }
0x39: {  	s2 =	simm.s32 $0x1;
	[bflag:$0x0] =	sbarrier.arrive $0xFFFF  }
0x3a: {  	s31 =	simm.s32 $0x2;
	[sflag:s2] =	ssyncpa.u1 $0x1  }
0x3b: {  	[sflag:s31] =	ssyncpa.u1 $0x1  }
0x3c: {  	p0 =	sne.s32 s0, $0x0;
	_ =	strace $0x9000004A  }
0x3d: {  	s0 =	sadd.s32 @!p0 $0x100000, s1;
	[bflag:$0x2] =	sbarrier.arrive $0xFFFF  }
0x3e: {  	[sflag:s0] =	ssyncadd.tile.s32 @!p0 $0x1;
	_ =	shalt  }
.Lfunc_end1:
_tile_overlayer_lowered:
.L_overlay_start_2:
0x3f: {  	(tag) =	ssettag $0x2  }
0x40: {  	s0 =	rddreg [dreg:$0x0];
	s2 =	stileid.u32  }
0x41: {  	s1 =	rddreg [dreg:$0x1];
	p0 =	sne.s32 s2, $0x0  }
0x42: {  	s3 =	rddreg [dreg:$0x2];
	[bflag:$0x3] =	sbarrier.arrive $0xFFFF;
	s2 =	simm.s32 @!p0 $0x1C01  }
0x43: {  	[timem:s3], [sflag:s2] =	dma.local @!p0 [hbm:s0], s1  }
0x44: {  	s0 =	simm.s32 @!p0 $0x1  }
0x45: {  	_ =	swait.ge @!p0 [sflag:s0], s1  }
0x46: {  	s1 =	ssub.s32 @!p0 $0x0, s1;
	[sflag:s0] =	ssyncset.done @!p0 $0x0  }
0x47: {  	[sflag:s0] =	ssyncadd.s32 @!p0 s1  }
0x48: {  	[bflag:$0x3] =	sbarrier.arrive $0xFFFF  }
0x49: {  	_ =	shalt  }

</sc_bundles>
